<compile_context>
chip_gen: v7x
topology: tpu7x:2x2x1
jax: 0.10.2.dev20260603
libtpu: 0.0.44.dev20260713+nightly
codegen_flags: <defaults>
</compile_context>

<pallas_src>
import functools

import jax
import jax.numpy as jnp
from jax import lax
from jax.experimental import pallas as pl
from jax.experimental.pallas import tpu as pltpu
from jax.experimental.pallas import tpu_sc as plsc

NC, NS = 2, 16
NB, NN, FD = 2, 10000, 128
TB = 80
NP = 10240
RPT = NP // NS
K = 128
GPB = NN // TB
BPP = NP // TB

_MESH = plsc.VectorSubcoreMesh(core_axis_name="c", subcore_axis_name="s")


def _deg_kernel(num_chunks):

    @functools.partial(
        pl.kernel,
        out_type=jax.ShapeDtypeStruct((NC * NP,), jnp.float32),
        mesh=_MESH,
        compiler_params=pltpu.CompilerParams(needs_layout_passes=False),
        scratch_types=[
            pltpu.VMEM((num_chunks * K,), jnp.int32),
            pltpu.VMEM((NP,), jnp.float32),
            pltpu.VMEM((RPT,), jnp.float32),
            pltpu.VMEM((RPT,), jnp.float32),
            pltpu.VMEM_SHARED((NS * NP,), jnp.float32),
        ],
    )
    def deg(dst_hbm, zeros_hbm, out_hbm, idx_v, hist_v, tbuf_v, acc_v, stage_sh):
        core = lax.axis_index("c")
        wid = lax.axis_index("s")
        n = num_chunks * K
        pltpu.sync_copy(dst_hbm.at[pl.ds(wid * n, n)], idx_v)
        pltpu.sync_copy(zeros_hbm, hist_v)
        ones = jnp.ones((16,), jnp.float32)

        def vec_body(j, carry):
            idx = idx_v[pl.ds(j * 16, 16)]
            plsc.addupdate_scatter(hist_v, [idx], ones)
            return carry

        lax.fori_loop(0, n // 16, vec_body, 0)
        pltpu.sync_copy(hist_v, stage_sh.at[pl.ds(wid * NP, NP)])
        plsc.subcore_barrier()

        pltpu.sync_copy(stage_sh.at[pl.ds(wid * RPT, RPT)], acc_v)

        def merge_body(t, carry):
            pltpu.sync_copy(stage_sh.at[pl.ds(t * NP + wid * RPT, RPT)], tbuf_v)

            def add_body(j, carry2):
                sl = pl.ds(j * 16, 16)
                acc_v[sl] = acc_v[sl] + tbuf_v[sl]
                return carry2

            lax.fori_loop(0, RPT // 16, add_body, 0)
            return carry

        lax.fori_loop(1, NS, merge_body, 0)
        pltpu.sync_copy(acc_v, out_hbm.at[pl.ds(core * NP + wid * RPT, RPT)])

    return deg


NBUF = 2


def _scatter_kernel(num_chunks):
    assert num_chunks % NBUF == 0

    @functools.partial(
        pl.kernel,
        out_type=jax.ShapeDtypeStruct((NC * NP, FD), jnp.float32),
        mesh=_MESH,
        scratch_types=(
            [pltpu.VMEM((K,), jnp.int32)] * (2 * NBUF)
            + [pltpu.VMEM((K, FD), jnp.float32)] * NBUF
            + [pltpu.VMEM_SHARED((NP, FD), jnp.float32)]
            + [pltpu.SemaphoreType.DMA] * (2 * NBUF)
        ),
    )
    def scat(g_hbm, srcg_hbm, dstl_hbm, zeros_hbm, out_hbm, *sc):
        src_v = sc[0:NBUF]
        dst_v = sc[NBUF:2 * NBUF]
        rows_v = sc[2 * NBUF:3 * NBUF]
        acc_sh = sc[3 * NBUF]
        gsem = sc[3 * NBUF + 1:4 * NBUF + 1]
        isem = sc[4 * NBUF + 1:5 * NBUF + 1]
        core = lax.axis_index("c")
        wid = lax.axis_index("s")
        srow = (core * NS + wid) * num_chunks
        drow = wid * num_chunks
        pltpu.sync_copy(zeros_hbm.at[pl.ds(wid * RPT, RPT)],
                        acc_sh.at[pl.ds(wid * RPT, RPT)])
        plsc.subcore_barrier()

        for j in range(NBUF - 1):
            pltpu.sync_copy(srcg_hbm.at[srow + j], src_v[j])
            pltpu.sync_copy(dstl_hbm.at[drow + j], dst_v[j])
            pltpu.async_copy(g_hbm.at[src_v[j]], rows_v[j], gsem[j])
        last = NBUF - 1
        pltpu.async_copy(srcg_hbm.at[srow + last], src_v[last], isem[last])
        pltpu.async_copy(dstl_hbm.at[drow + last], dst_v[last], isem[last])

        def body(k, carry):
            base = k * NBUF
            for p in range(NBUF):
                c = base + p
                q = (p + NBUF - 1) % NBUF
                @pl.when(c + NBUF - 1 < num_chunks)
                def _(p=p, q=q):
                    pltpu.make_async_copy(srcg_hbm.at[srow], src_v[q],
                                          isem[q]).wait()
                    pltpu.make_async_copy(dstl_hbm.at[drow], dst_v[q],
                                          isem[q]).wait()
                    pltpu.async_copy(g_hbm.at[src_v[q]], rows_v[q], gsem[q])

                pltpu.make_async_copy(g_hbm.at[src_v[p]], rows_v[p],
                                      gsem[p]).wait()
                pltpu.sync_copy(rows_v[p], acc_sh.at[dst_v[p]], add=True)

                @pl.when(c + NBUF < num_chunks)
                def _(c=c, p=p):
                    pltpu.async_copy(srcg_hbm.at[srow + c + NBUF], src_v[p],
                                     isem[p])
                    pltpu.async_copy(dstl_hbm.at[drow + c + NBUF], dst_v[p],
                                     isem[p])
            return carry

        lax.fori_loop(0, num_chunks // NBUF, body, 0)
        plsc.subcore_barrier()
        pltpu.sync_copy(acc_sh.at[pl.ds(wid * RPT, RPT)],
                        out_hbm.at[pl.ds(core * NP + wid * RPT, RPT)])

    return scat


def _acc_map(i):
    return (i // GPB * BPP + i % GPB, 0)


def _row_spec():
    return pl.BlockSpec((TB, FD), lambda i: (i, 0))


def _deg_spec():
    return pl.BlockSpec((TB, 1), lambda i: (i, 0))


def _dinv(dg_ref):
    return lax.rsqrt(dg_ref[...] + 1.0)


def _tc1_body(x_ref, w_ref, dg_ref, g_ref):
    h = jnp.dot(x_ref[...], w_ref[...], preferred_element_type=jnp.float32)
    g_ref[...] = h * _dinv(dg_ref)


def _tc2_body(acc_ref, g1_ref, w_ref, b_ref, dg_ref, g2_ref):
    dinv = _dinv(dg_ref)
    h = jnp.maximum(dinv * (acc_ref[...] + g1_ref[...]) + b_ref[...], 0.0)
    g2_ref[...] = jnp.dot(h, w_ref[...], preferred_element_type=jnp.float32) * dinv


def _tc3_body(acc_ref, g2_ref, b_ref, gam_ref, bet_ref, dg_ref, o_ref):
    dinv = _dinv(dg_ref)
    t = dinv * (acc_ref[...] + g2_ref[...]) + b_ref[...]
    mu = jnp.mean(t, axis=1, keepdims=True)
    d = t - mu
    var = jnp.mean(d * d, axis=1, keepdims=True)
    o_ref[...] = d * lax.rsqrt(var + 1e-5) * gam_ref[...] + bet_ref[...]


def kernel(x, edge_index, W1, b1, W2, b2, gamma, beta):
    nb, nn, fd = x.shape
    x2d = x.reshape(nb * nn, fd)
    e = edge_index.shape[1]
    src = edge_index[0].astype(jnp.int32)
    dst = edge_index[1].astype(jnp.int32)

    et = -(-e // NS)
    c = -(-et // (K * NBUF)) * NBUF
    etp = c * K
    srcp = jnp.pad(src, (0, NS * etp - e)).reshape(NS, etp)
    dstp = jnp.pad(dst, (0, NS * etp - e), constant_values=NN).reshape(NS, etp)
    src_rows = jnp.stack([srcp, srcp + NN]).reshape(NC * NS * c, K)
    dst_rows = dstp.reshape(NS * c, K)

    zeros1d = jnp.zeros((NP,), jnp.float32)
    zeros_acc = jnp.zeros((NP, FD), jnp.float32)

    deg_p = _deg_kernel(c)(dstp.reshape(NS * etp), zeros1d)
    deg_col = jnp.concatenate([deg_p[:nn], deg_p[:nn]]).reshape(nb * nn, 1)

    grid = (nb * nn // TB,)
    g1 = pl.pallas_call(
        _tc1_body,
        grid=grid,
        in_specs=[
            _row_spec(),
            pl.BlockSpec((FD, FD), lambda i: (0, 0)),
            _deg_spec(),
        ],
        out_specs=_row_spec(),
        out_shape=jax.ShapeDtypeStruct((nb * nn, FD), jnp.float32),
    )(x2d, W1, deg_col)

    scat = _scatter_kernel(c)
    acc1 = scat(g1, src_rows, dst_rows, zeros_acc)

    g2 = pl.pallas_call(
        _tc2_body,
        grid=grid,
        in_specs=[
            pl.BlockSpec((TB, FD), _acc_map),
            _row_spec(),
            pl.BlockSpec((FD, FD), lambda i: (0, 0)),
            pl.BlockSpec((1, FD), lambda i: (0, 0)),
            _deg_spec(),
        ],
        out_specs=_row_spec(),
        out_shape=jax.ShapeDtypeStruct((nb * nn, FD), jnp.float32),
    )(acc1, g1, W2, b1.reshape(1, FD), deg_col)

    acc2 = scat(g2, src_rows, dst_rows, zeros_acc)

    out = pl.pallas_call(
        _tc3_body,
        grid=grid,
        in_specs=[
            pl.BlockSpec((TB, FD), _acc_map),
            _row_spec(),
            pl.BlockSpec((1, FD), lambda i: (0, 0)),
            pl.BlockSpec((1, FD), lambda i: (0, 0)),
            pl.BlockSpec((1, FD), lambda i: (0, 0)),
            _deg_spec(),
        ],
        out_specs=_row_spec(),
        out_shape=jax.ShapeDtypeStruct((nb * nn, FD), jnp.float32),
    )(acc2, g2, b2.reshape(1, FD), gamma.reshape(1, FD), beta.reshape(1, FD),
      deg_col)

    return out.reshape(nb, nn, FD)

# --- scband reference (transcript-rebuilt; emitter-appended) ---
"""Pipeline reference for scband-gnnencoder-24867860643896 (READ-ONLY COPY).

The authoritative reference and input builder live on the scoring server;
editing this copy changes nothing except your own understanding.
"""

import jax, jax.numpy as jnp
import numpy as np

B, N, F_IN, H, E = 2, 10000, 128, 128, 320000


def _gcn_conv(x, src, dst, W, b, n):
    # PyG GCNConv: add self-loops, symmetric normalization, linear, scatter-add, bias
    loop = jnp.arange(n, dtype=src.dtype)
    s = jnp.concatenate([src, loop])
    d = jnp.concatenate([dst, loop])
    deg = jax.ops.segment_sum(jnp.ones_like(s, dtype=x.dtype), d, num_segments=n)
    dinv = jnp.where(deg > 0, deg ** -0.5, 0.0)
    norm = dinv[s] * dinv[d]
    h = x @ W
    msg = h[s] * norm[:, None]
    out = jax.ops.segment_sum(msg, d, num_segments=n)
    return out + b


def setup_inputs(seed: int = 0) -> dict:
    key = jax.random.key(seed)
    k = jax.random.split(key, 8)
    x = jax.random.normal(k[0], (B, N, F_IN), dtype=jnp.float32)
    edge_index = jax.random.randint(k[1], (2, E), 0, N, dtype=jnp.int64)
    s1 = 1.0 / np.sqrt(F_IN)
    s2 = 1.0 / np.sqrt(H)
    W1 = jax.random.uniform(k[2], (F_IN, H), jnp.float32, -s1, s1)
    b1 = jnp.zeros((H,), jnp.float32)
    W2 = jax.random.uniform(k[3], (H, H), jnp.float32, -s2, s2)
    b2 = jnp.zeros((H,), jnp.float32)
    gamma = jnp.ones((H,), jnp.float32)
    beta = jnp.zeros((H,), jnp.float32)
    return {"x": x, "edge_index": edge_index, "W1": W1, "b1": b1, "W2": W2, "b2": b2, "gamma": gamma, "beta": beta}


def reference(x, edge_index, W1, b1, W2, b2, gamma, beta):
    bsz, num_nodes, num_feat = x.shape
    xf = x.reshape(-1, num_feat)
    e = edge_index.shape[1]
    offsets = jnp.repeat(jnp.arange(bsz, dtype=edge_index.dtype) * num_nodes, e)
    ei = jnp.tile(edge_index, (1, bsz)) + offsets[None, :]
    n = bsz * num_nodes
    src, dst = ei[0], ei[1]
    h = jax.nn.relu(_gcn_conv(xf, src, dst, W1, b1, n))
    h = _gcn_conv(h, src, dst, W2, b2, n)
    mu = jnp.mean(h, axis=-1, keepdims=True)
    var = jnp.mean((h - mu) ** 2, axis=-1, keepdims=True)
    h = (h - mu) / jnp.sqrt(var + 1e-5) * gamma + beta
    return h.reshape(bsz, num_nodes, -1)

if __name__ == "__main__":
    import jax
    _d = setup_inputs()
    print(jax.jit(kernel)(*tuple(_d.values())))

</pallas_src>

<mosaic_0001>
#map = affine_map<(d0, d1) -> (0, 0)>
module attributes {stable_mosaic.version = 14 : i64} {
  func.func @scat(%arg0: i32, %arg1: i32, %arg2: memref<20000x128xf32, #tpu.memory_space<hbm>>, %arg3: memref<5056x128xi32, #tpu.memory_space<hbm>>, %arg4: memref<2528x128xi32, #tpu.memory_space<hbm>>, %arg5: memref<10240x128xf32, #tpu.memory_space<hbm>>, %arg6: memref<20480x128xf32, #tpu.memory_space<hbm>>, %arg7: memref<128xi32, #tpu.memory_space<vmem>>, %arg8: memref<128xi32, #tpu.memory_space<vmem>>, %arg9: memref<128xi32, #tpu.memory_space<vmem>>, %arg10: memref<128xi32, #tpu.memory_space<vmem>>, %arg11: memref<128x128xf32, #tpu.memory_space<vmem>>, %arg12: memref<128x128xf32, #tpu.memory_space<vmem>>, %arg13: memref<10240x128xf32, #tpu.memory_space<vmem_shared>>, %arg14: memref<!tpu.dma_semaphore, #tpu.memory_space<semaphore_mem>>, %arg15: memref<!tpu.dma_semaphore, #tpu.memory_space<semaphore_mem>>, %arg16: memref<!tpu.dma_semaphore, #tpu.memory_space<semaphore_mem>>, %arg17: memref<!tpu.dma_semaphore, #tpu.memory_space<semaphore_mem>>) attributes {dimension_semantics = [#tpu.dimension_semantics<core_parallel>, #tpu.dimension_semantics<subcore_parallel>], iteration_bounds = array<i64: 2, 16>, scalar_prefetch = 0 : i64, scratch_operands = 11 : i64, tpu.core_type = #tpu.core_type<sc_vector_subcore>, window_params = [{transform_indices = #map}, {transform_indices = #map}, {transform_indices = #map}, {transform_indices = #map}, {transform_indices = #map}]} {
    %mul3A = arith.constant 16 : i32
    %mul3A_0 = arith.muli %arg0, %mul3A : i32
    %add3A = arith.addi %mul3A_0, %arg1 : i32
    %mul3A_1 = arith.constant 158 : i32
    %mul3A_2 = arith.muli %add3A, %mul3A_1 : i32
    %mul3A_3 = arith.constant 158 : i32
    %mul3A_4 = arith.muli %arg1, %mul3A_3 : i32
    %mul3A_5 = arith.constant 640 : i32
    %mul3A_6 = arith.muli %arg1, %mul3A_5 : i32
    %mul3A_7 = arith.constant 640 : i32
    %mul3A_8 = arith.muli %arg1, %mul3A_7 : i32
    "tpu.region"() ({
      %run_scoped3A = tpu.sem_alloc : memref<!tpu.dma_semaphore, #tpu.memory_space<semaphore_mem>>
      %dma_start3A_44 = arith.constant 0 : i32
      %dma_start3A_45 = tpu.memref_slice %arg13[%mul3A_8, %dma_start3A_44] : memref<10240x128xf32, #tpu.memory_space<vmem_shared>> -> memref<640x128xf32, #tpu.memory_space<vmem_shared>>
      %dma_start3A_46 = arith.constant 0 : i32
      %dma_start3A_47 = tpu.memref_slice %arg5[%mul3A_6, %dma_start3A_46] : memref<10240x128xf32, #tpu.memory_space<hbm>> -> memref<640x128xf32, #tpu.memory_space<hbm>>
      tpu.enqueue_dma source(%dma_start3A_47 : memref<640x128xf32, #tpu.memory_space<hbm>>) target(%dma_start3A_45 : memref<640x128xf32, #tpu.memory_space<vmem_shared>>) target_semaphore(%run_scoped3A : memref<!tpu.dma_semaphore, #tpu.memory_space<semaphore_mem>>)
      %dma_wait3A = arith.constant 0 : i32
      %dma_wait3A_48 = tpu.memref_slice %arg13[%mul3A_8, %dma_wait3A] : memref<10240x128xf32, #tpu.memory_space<vmem_shared>> -> memref<640x128xf32, #tpu.memory_space<vmem_shared>>
      %dma_wait3A_49 = arith.constant 0 : i32
      %dma_wait3A_50 = tpu.memref_slice %arg5[%mul3A_6, %dma_wait3A_49] : memref<10240x128xf32, #tpu.memory_space<hbm>> -> memref<640x128xf32, #tpu.memory_space<hbm>>
      tpu.wait_dma2 semaphore(%run_scoped3A : memref<!tpu.dma_semaphore, #tpu.memory_space<semaphore_mem>>) src(%dma_wait3A_50 : memref<640x128xf32, #tpu.memory_space<hbm>>) dst(%dma_wait3A_48 : memref<640x128xf32, #tpu.memory_space<vmem_shared>>)
      tpu.yield
    }) : () -> ()
    %barrier3A = arith.constant 0 : index
    tpu.barrier barrier_id(%barrier3A)
    %add3A_9 = arith.constant 0 : i32
    %add3A_10 = arith.addi %mul3A_2, %add3A_9 : i32
    "tpu.region"() ({
      %run_scoped3A = tpu.sem_alloc : memref<!tpu.dma_semaphore, #tpu.memory_space<semaphore_mem>>
      %dma_start3A_44 = arith.constant 0 : i32
      %dma_start3A_45 = tpu.memref_slice %arg3[%add3A_10, %dma_start3A_44] : memref<5056x128xi32, #tpu.memory_space<hbm>> -> memref<1x128xi32, #tpu.memory_space<hbm>>
      %dma_start3A_46 = tpu.memref_squeeze %dma_start3A_45 : memref<1x128xi32, #tpu.memory_space<hbm>> -> memref<128xi32, #tpu.memory_space<hbm>>
      %dma_start3A_47 = arith.constant 0 : i32
      %dma_start3A_48 = tpu.memref_slice %arg3[%add3A_10, %dma_start3A_47] : memref<5056x128xi32, #tpu.memory_space<hbm>> -> memref<1x128xi32, #tpu.memory_space<hbm>>
      %dma_start3A_49 = tpu.memref_squeeze %dma_start3A_48 : memref<1x128xi32, #tpu.memory_space<hbm>> -> memref<128xi32, #tpu.memory_space<hbm>>
      tpu.enqueue_dma source(%dma_start3A_49 : memref<128xi32, #tpu.memory_space<hbm>>) target(%arg7 : memref<128xi32, #tpu.memory_space<vmem>>) target_semaphore(%run_scoped3A : memref<!tpu.dma_semaphore, #tpu.memory_space<semaphore_mem>>)
      %dma_wait3A = arith.constant 0 : i32
      %dma_wait3A_50 = tpu.memref_slice %arg3[%add3A_10, %dma_wait3A] : memref<5056x128xi32, #tpu.memory_space<hbm>> -> memref<1x128xi32, #tpu.memory_space<hbm>>
      %dma_wait3A_51 = tpu.memref_squeeze %dma_wait3A_50 : memref<1x128xi32, #tpu.memory_space<hbm>> -> memref<128xi32, #tpu.memory_space<hbm>>
      %dma_wait3A_52 = arith.constant 0 : i32
      %dma_wait3A_53 = tpu.memref_slice %arg3[%add3A_10, %dma_wait3A_52] : memref<5056x128xi32, #tpu.memory_space<hbm>> -> memref<1x128xi32, #tpu.memory_space<hbm>>
      %dma_wait3A_54 = tpu.memref_squeeze %dma_wait3A_53 : memref<1x128xi32, #tpu.memory_space<hbm>> -> memref<128xi32, #tpu.memory_space<hbm>>
      tpu.wait_dma2 semaphore(%run_scoped3A : memref<!tpu.dma_semaphore, #tpu.memory_space<semaphore_mem>>) src(%dma_wait3A_54 : memref<128xi32, #tpu.memory_space<hbm>>) dst(%arg7 : memref<128xi32, #tpu.memory_space<vmem>>)
      tpu.yield
    }) : () -> ()
    %add3A_11 = arith.constant 0 : i32
    %add3A_12 = arith.addi %mul3A_4, %add3A_11 : i32
    "tpu.region"() ({
      %run_scoped3A = tpu.sem_alloc : memref<!tpu.dma_semaphore, #tpu.memory_space<semaphore_mem>>
      %dma_start3A_44 = arith.constant 0 : i32
      %dma_start3A_45 = tpu.memref_slice %arg4[%add3A_12, %dma_start3A_44] : memref<2528x128xi32, #tpu.memory_space<hbm>> -> memref<1x128xi32, #tpu.memory_space<hbm>>
      %dma_start3A_46 = tpu.memref_squeeze %dma_start3A_45 : memref<1x128xi32, #tpu.memory_space<hbm>> -> memref<128xi32, #tpu.memory_space<hbm>>
      %dma_start3A_47 = arith.constant 0 : i32
      %dma_start3A_48 = tpu.memref_slice %arg4[%add3A_12, %dma_start3A_47] : memref<2528x128xi32, #tpu.memory_space<hbm>> -> memref<1x128xi32, #tpu.memory_space<hbm>>
      %dma_start3A_49 = tpu.memref_squeeze %dma_start3A_48 : memref<1x128xi32, #tpu.memory_space<hbm>> -> memref<128xi32, #tpu.memory_space<hbm>>
      tpu.enqueue_dma source(%dma_start3A_49 : memref<128xi32, #tpu.memory_space<hbm>>) target(%arg9 : memref<128xi32, #tpu.memory_space<vmem>>) target_semaphore(%run_scoped3A : memref<!tpu.dma_semaphore, #tpu.memory_space<semaphore_mem>>)
      %dma_wait3A = arith.constant 0 : i32
      %dma_wait3A_50 = tpu.memref_slice %arg4[%add3A_12, %dma_wait3A] : memref<2528x128xi32, #tpu.memory_space<hbm>> -> memref<1x128xi32, #tpu.memory_space<hbm>>
      %dma_wait3A_51 = tpu.memref_squeeze %dma_wait3A_50 : memref<1x128xi32, #tpu.memory_space<hbm>> -> memref<128xi32, #tpu.memory_space<hbm>>
      %dma_wait3A_52 = arith.constant 0 : i32
      %dma_wait3A_53 = tpu.memref_slice %arg4[%add3A_12, %dma_wait3A_52] : memref<2528x128xi32, #tpu.memory_space<hbm>> -> memref<1x128xi32, #tpu.memory_space<hbm>>
      %dma_wait3A_54 = tpu.memref_squeeze %dma_wait3A_53 : memref<1x128xi32, #tpu.memory_space<hbm>> -> memref<128xi32, #tpu.memory_space<hbm>>
      tpu.wait_dma2 semaphore(%run_scoped3A : memref<!tpu.dma_semaphore, #tpu.memory_space<semaphore_mem>>) src(%dma_wait3A_54 : memref<128xi32, #tpu.memory_space<hbm>>) dst(%arg9 : memref<128xi32, #tpu.memory_space<vmem>>)
      tpu.yield
    }) : () -> ()
    %dma_start3A = arith.constant 0 : i32
    %dma_start3A_13 = arith.constant 0 : i32
    %dma_start3A_14 = tpu.memref_slice %arg2[%dma_start3A, %dma_start3A_13] : memref<20000x128xf32, #tpu.memory_space<hbm>> -> memref<20000x128xf32, #tpu.memory_space<hbm>>
    tpu.enqueue_indirect_dma source(%dma_start3A_14 : memref<20000x128xf32, #tpu.memory_space<hbm>>) target(%arg11 : memref<128x128xf32, #tpu.memory_space<vmem>>) offsets(%arg7 : memref<128xi32, #tpu.memory_space<vmem>>) semaphore(%arg14 : memref<!tpu.dma_semaphore, #tpu.memory_space<semaphore_mem>>)
    %add3A_15 = arith.constant 1 : i32
    %add3A_16 = arith.addi %mul3A_2, %add3A_15 : i32
    %dma_start3A_17 = arith.constant 0 : i32
    %dma_start3A_18 = tpu.memref_slice %arg3[%add3A_16, %dma_start3A_17] : memref<5056x128xi32, #tpu.memory_space<hbm>> -> memref<1x128xi32, #tpu.memory_space<hbm>>
    %dma_start3A_19 = tpu.memref_squeeze %dma_start3A_18 : memref<1x128xi32, #tpu.memory_space<hbm>> -> memref<128xi32, #tpu.memory_space<hbm>>
    %dma_start3A_20 = arith.constant 0 : i32
    %dma_start3A_21 = tpu.memref_slice %arg3[%add3A_16, %dma_start3A_20] : memref<5056x128xi32, #tpu.memory_space<hbm>> -> memref<1x128xi32, #tpu.memory_space<hbm>>
    %dma_start3A_22 = tpu.memref_squeeze %dma_start3A_21 : memref<1x128xi32, #tpu.memory_space<hbm>> -> memref<128xi32, #tpu.memory_space<hbm>>
    tpu.enqueue_dma source(%dma_start3A_22 : memref<128xi32, #tpu.memory_space<hbm>>) target(%arg8 : memref<128xi32, #tpu.memory_space<vmem>>) target_semaphore(%arg17 : memref<!tpu.dma_semaphore, #tpu.memory_space<semaphore_mem>>)
    %add3A_23 = arith.constant 1 : i32
    %add3A_24 = arith.addi %mul3A_4, %add3A_23 : i32
    %dma_start3A_25 = arith.constant 0 : i32
    %dma_start3A_26 = tpu.memref_slice %arg4[%add3A_24, %dma_start3A_25] : memref<2528x128xi32, #tpu.memory_space<hbm>> -> memref<1x128xi32, #tpu.memory_space<hbm>>
    %dma_start3A_27 = tpu.memref_squeeze %dma_start3A_26 : memref<1x128xi32, #tpu.memory_space<hbm>> -> memref<128xi32, #tpu.memory_space<hbm>>
    %dma_start3A_28 = arith.constant 0 : i32
    %dma_start3A_29 = tpu.memref_slice %arg4[%add3A_24, %dma_start3A_28] : memref<2528x128xi32, #tpu.memory_space<hbm>> -> memref<1x128xi32, #tpu.memory_space<hbm>>
    %dma_start3A_30 = tpu.memref_squeeze %dma_start3A_29 : memref<1x128xi32, #tpu.memory_space<hbm>> -> memref<128xi32, #tpu.memory_space<hbm>>
    tpu.enqueue_dma source(%dma_start3A_30 : memref<128xi32, #tpu.memory_space<hbm>>) target(%arg10 : memref<128xi32, #tpu.memory_space<vmem>>) target_semaphore(%arg17 : memref<!tpu.dma_semaphore, #tpu.memory_space<semaphore_mem>>)
    %scan3A = arith.constant 0 : i32
    %scan3A_31 = arith.constant 0 : i32
    %scan3A_32 = arith.constant 79 : i32
    %scan3A_33 = arith.addi %scan3A_31, %scan3A_32 : i32
    %scan3A_34 = arith.constant 1 : i32
    scf.for %scan3A_44 = %scan3A_31 to %scan3A_33 step %scan3A_34  : i32 {
      %mul3A_45 = arith.constant 2 : i32
      %mul3A_46 = arith.muli %scan3A_44, %mul3A_45 : i32
      %add3A_47 = arith.constant 0 : i32
      %add3A_48 = arith.addi %mul3A_46, %add3A_47 : i32
      %add3A_49 = arith.constant 2 : i32
      %add3A_50 = arith.addi %add3A_48, %add3A_49 : i32
      %sub3A = arith.constant 1 : i32
      %sub3A_51 = arith.subi %add3A_50, %sub3A : i32
      %lt3A = arith.constant 158 : i32
      %lt3A_52 = arith.cmpi slt, %sub3A_51, %lt3A : i32
      %convert_element_type3A = arith.extui %lt3A_52 : i1 to i32
      %cond3A = arith.constant 0 : i32
      %cond3A_53 = arith.cmpi ne, %convert_element_type3A, %cond3A : i32
      scf.if %cond3A_53 {
        %dma_wait3A_84 = arith.constant 0 : i32
        %dma_wait3A_85 = tpu.memref_slice %arg3[%mul3A_2, %dma_wait3A_84] : memref<5056x128xi32, #tpu.memory_space<hbm>> -> memref<1x128xi32, #tpu.memory_space<hbm>>
        %dma_wait3A_86 = tpu.memref_squeeze %dma_wait3A_85 : memref<1x128xi32, #tpu.memory_space<hbm>> -> memref<128xi32, #tpu.memory_space<hbm>>
        %dma_wait3A_87 = arith.constant 0 : i32
        %dma_wait3A_88 = tpu.memref_slice %arg3[%mul3A_2, %dma_wait3A_87] : memref<5056x128xi32, #tpu.memory_space<hbm>> -> memref<1x128xi32, #tpu.memory_space<hbm>>
        %dma_wait3A_89 = tpu.memref_squeeze %dma_wait3A_88 : memref<1x128xi32, #tpu.memory_space<hbm>> -> memref<128xi32, #tpu.memory_space<hbm>>
        tpu.wait_dma2 semaphore(%arg17 : memref<!tpu.dma_semaphore, #tpu.memory_space<semaphore_mem>>) src(%dma_wait3A_89 : memref<128xi32, #tpu.memory_space<hbm>>) dst(%arg8 : memref<128xi32, #tpu.memory_space<vmem>>)
        %dma_wait3A_90 = arith.constant 0 : i32
        %dma_wait3A_91 = tpu.memref_slice %arg4[%mul3A_4, %dma_wait3A_90] : memref<2528x128xi32, #tpu.memory_space<hbm>> -> memref<1x128xi32, #tpu.memory_space<hbm>>
        %dma_wait3A_92 = tpu.memref_squeeze %dma_wait3A_91 : memref<1x128xi32, #tpu.memory_space<hbm>> -> memref<128xi32, #tpu.memory_space<hbm>>
        %dma_wait3A_93 = arith.constant 0 : i32
        %dma_wait3A_94 = tpu.memref_slice %arg4[%mul3A_4, %dma_wait3A_93] : memref<2528x128xi32, #tpu.memory_space<hbm>> -> memref<1x128xi32, #tpu.memory_space<hbm>>
        %dma_wait3A_95 = tpu.memref_squeeze %dma_wait3A_94 : memref<1x128xi32, #tpu.memory_space<hbm>> -> memref<128xi32, #tpu.memory_space<hbm>>
        tpu.wait_dma2 semaphore(%arg17 : memref<!tpu.dma_semaphore, #tpu.memory_space<semaphore_mem>>) src(%dma_wait3A_95 : memref<128xi32, #tpu.memory_space<hbm>>) dst(%arg10 : memref<128xi32, #tpu.memory_space<vmem>>)
        %dma_start3A_96 = arith.constant 0 : i32
        %dma_start3A_97 = arith.constant 0 : i32
        %dma_start3A_98 = tpu.memref_slice %arg2[%dma_start3A_96, %dma_start3A_97] : memref<20000x128xf32, #tpu.memory_space<hbm>> -> memref<20000x128xf32, #tpu.memory_space<hbm>>
        tpu.enqueue_indirect_dma source(%dma_start3A_98 : memref<20000x128xf32, #tpu.memory_space<hbm>>) target(%arg12 : memref<128x128xf32, #tpu.memory_space<vmem>>) offsets(%arg8 : memref<128xi32, #tpu.memory_space<vmem>>) semaphore(%arg15 : memref<!tpu.dma_semaphore, #tpu.memory_space<semaphore_mem>>)
      } else {
      }
      %dma_wait3A = arith.constant 0 : i32
      %dma_wait3A_54 = arith.constant 0 : i32
      %dma_wait3A_55 = tpu.memref_slice %arg2[%dma_wait3A, %dma_wait3A_54] : memref<20000x128xf32, #tpu.memory_space<hbm>> -> memref<20000x128xf32, #tpu.memory_space<hbm>>
      tpu.wait_indirect_dma semaphore(%arg14 : memref<!tpu.dma_semaphore, #tpu.memory_space<semaphore_mem>>) src(%dma_wait3A_55 : memref<20000x128xf32, #tpu.memory_space<hbm>>) dst(%arg11 : memref<128x128xf32, #tpu.memory_space<vmem>>)
      "tpu.region"() ({
        %run_scoped3A = tpu.sem_alloc : memref<!tpu.dma_semaphore, #tpu.memory_space<semaphore_mem>>
        %dma_start3A_84 = arith.constant 0 : i32
        %dma_start3A_85 = arith.constant 0 : i32
        %dma_start3A_86 = tpu.memref_slice %arg13[%dma_start3A_84, %dma_start3A_85] : memref<10240x128xf32, #tpu.memory_space<vmem_shared>> -> memref<10240x128xf32, #tpu.memory_space<vmem_shared>>
        tpu.enqueue_indirect_dma source(%arg11 : memref<128x128xf32, #tpu.memory_space<vmem>>) target(%dma_start3A_86 : memref<10240x128xf32, #tpu.memory_space<vmem_shared>>) offsets(%arg9 : memref<128xi32, #tpu.memory_space<vmem>>) semaphore(%run_scoped3A : memref<!tpu.dma_semaphore, #tpu.memory_space<semaphore_mem>>) {add = true}
        %dma_wait3A_87 = arith.constant 0 : i32
        %dma_wait3A_88 = arith.constant 0 : i32
        %dma_wait3A_89 = tpu.memref_slice %arg13[%dma_wait3A_87, %dma_wait3A_88] : memref<10240x128xf32, #tpu.memory_space<vmem_shared>> -> memref<10240x128xf32, #tpu.memory_space<vmem_shared>>
        tpu.wait_indirect_dma semaphore(%run_scoped3A : memref<!tpu.dma_semaphore, #tpu.memory_space<semaphore_mem>>) src(%arg11 : memref<128x128xf32, #tpu.memory_space<vmem>>) dst(%dma_wait3A_89 : memref<10240x128xf32, #tpu.memory_space<vmem_shared>>)
        tpu.yield
      }) : () -> ()
      %add3A_56 = arith.constant 2 : i32
      %add3A_57 = arith.addi %add3A_48, %add3A_56 : i32
      %lt3A_58 = arith.constant 158 : i32
      %lt3A_59 = arith.cmpi slt, %add3A_57, %lt3A_58 : i32
      %convert_element_type3A_60 = arith.extui %lt3A_59 : i1 to i32
      %cond3A_61 = arith.constant 0 : i32
      %cond3A_62 = arith.cmpi ne, %convert_element_type3A_60, %cond3A_61 : i32
      scf.if %cond3A_62 {
        %add3A_84 = arith.addi %mul3A_2, %add3A_48 : i32
        %add3A_85 = arith.constant 2 : i32
        %add3A_86 = arith.addi %add3A_84, %add3A_85 : i32
        %dma_start3A_87 = arith.constant 0 : i32
        %dma_start3A_88 = tpu.memref_slice %arg3[%add3A_86, %dma_start3A_87] : memref<5056x128xi32, #tpu.memory_space<hbm>> -> memref<1x128xi32, #tpu.memory_space<hbm>>
        %dma_start3A_89 = tpu.memref_squeeze %dma_start3A_88 : memref<1x128xi32, #tpu.memory_space<hbm>> -> memref<128xi32, #tpu.memory_space<hbm>>
        %dma_start3A_90 = arith.constant 0 : i32
        %dma_start3A_91 = tpu.memref_slice %arg3[%add3A_86, %dma_start3A_90] : memref<5056x128xi32, #tpu.memory_space<hbm>> -> memref<1x128xi32, #tpu.memory_space<hbm>>
        %dma_start3A_92 = tpu.memref_squeeze %dma_start3A_91 : memref<1x128xi32, #tpu.memory_space<hbm>> -> memref<128xi32, #tpu.memory_space<hbm>>
        tpu.enqueue_dma source(%dma_start3A_92 : memref<128xi32, #tpu.memory_space<hbm>>) target(%arg7 : memref<128xi32, #tpu.memory_space<vmem>>) target_semaphore(%arg16 : memref<!tpu.dma_semaphore, #tpu.memory_space<semaphore_mem>>)
        %add3A_93 = arith.addi %mul3A_4, %add3A_48 : i32
        %add3A_94 = arith.constant 2 : i32
        %add3A_95 = arith.addi %add3A_93, %add3A_94 : i32
        %dma_start3A_96 = arith.constant 0 : i32
        %dma_start3A_97 = tpu.memref_slice %arg4[%add3A_95, %dma_start3A_96] : memref<2528x128xi32, #tpu.memory_space<hbm>> -> memref<1x128xi32, #tpu.memory_space<hbm>>
        %dma_start3A_98 = tpu.memref_squeeze %dma_start3A_97 : memref<1x128xi32, #tpu.memory_space<hbm>> -> memref<128xi32, #tpu.memory_space<hbm>>
        %dma_start3A_99 = arith.constant 0 : i32
        %dma_start3A_100 = tpu.memref_slice %arg4[%add3A_95, %dma_start3A_99] : memref<2528x128xi32, #tpu.memory_space<hbm>> -> memref<1x128xi32, #tpu.memory_space<hbm>>
        %dma_start3A_101 = tpu.memref_squeeze %dma_start3A_100 : memref<1x128xi32, #tpu.memory_space<hbm>> -> memref<128xi32, #tpu.memory_space<hbm>>
        tpu.enqueue_dma source(%dma_start3A_101 : memref<128xi32, #tpu.memory_space<hbm>>) target(%arg9 : memref<128xi32, #tpu.memory_space<vmem>>) target_semaphore(%arg16 : memref<!tpu.dma_semaphore, #tpu.memory_space<semaphore_mem>>)
      } else {
      }
      %add3A_63 = arith.constant 1 : i32
      %add3A_64 = arith.addi %mul3A_46, %add3A_63 : i32
      %add3A_65 = arith.constant 2 : i32
      %add3A_66 = arith.addi %add3A_64, %add3A_65 : i32
      %sub3A_67 = arith.constant 1 : i32
      %sub3A_68 = arith.subi %add3A_66, %sub3A_67 : i32
      %lt3A_69 = arith.constant 158 : i32
      %lt3A_70 = arith.cmpi slt, %sub3A_68, %lt3A_69 : i32
      %convert_element_type3A_71 = arith.extui %lt3A_70 : i1 to i32
      %cond3A_72 = arith.constant 0 : i32
      %cond3A_73 = arith.cmpi ne, %convert_element_type3A_71, %cond3A_72 : i32
      scf.if %cond3A_73 {
        %dma_wait3A_84 = arith.constant 0 : i32
        %dma_wait3A_85 = tpu.memref_slice %arg3[%mul3A_2, %dma_wait3A_84] : memref<5056x128xi32, #tpu.memory_space<hbm>> -> memref<1x128xi32, #tpu.memory_space<hbm>>
        %dma_wait3A_86 = tpu.memref_squeeze %dma_wait3A_85 : memref<1x128xi32, #tpu.memory_space<hbm>> -> memref<128xi32, #tpu.memory_space<hbm>>
        %dma_wait3A_87 = arith.constant 0 : i32
        %dma_wait3A_88 = tpu.memref_slice %arg3[%mul3A_2, %dma_wait3A_87] : memref<5056x128xi32, #tpu.memory_space<hbm>> -> memref<1x128xi32, #tpu.memory_space<hbm>>
        %dma_wait3A_89 = tpu.memref_squeeze %dma_wait3A_88 : memref<1x128xi32, #tpu.memory_space<hbm>> -> memref<128xi32, #tpu.memory_space<hbm>>
        tpu.wait_dma2 semaphore(%arg16 : memref<!tpu.dma_semaphore, #tpu.memory_space<semaphore_mem>>) src(%dma_wait3A_89 : memref<128xi32, #tpu.memory_space<hbm>>) dst(%arg7 : memref<128xi32, #tpu.memory_space<vmem>>)
        %dma_wait3A_90 = arith.constant 0 : i32
        %dma_wait3A_91 = tpu.memref_slice %arg4[%mul3A_4, %dma_wait3A_90] : memref<2528x128xi32, #tpu.memory_space<hbm>> -> memref<1x128xi32, #tpu.memory_space<hbm>>
        %dma_wait3A_92 = tpu.memref_squeeze %dma_wait3A_91 : memref<1x128xi32, #tpu.memory_space<hbm>> -> memref<128xi32, #tpu.memory_space<hbm>>
        %dma_wait3A_93 = arith.constant 0 : i32
        %dma_wait3A_94 = tpu.memref_slice %arg4[%mul3A_4, %dma_wait3A_93] : memref<2528x128xi32, #tpu.memory_space<hbm>> -> memref<1x128xi32, #tpu.memory_space<hbm>>
        %dma_wait3A_95 = tpu.memref_squeeze %dma_wait3A_94 : memref<1x128xi32, #tpu.memory_space<hbm>> -> memref<128xi32, #tpu.memory_space<hbm>>
        tpu.wait_dma2 semaphore(%arg16 : memref<!tpu.dma_semaphore, #tpu.memory_space<semaphore_mem>>) src(%dma_wait3A_95 : memref<128xi32, #tpu.memory_space<hbm>>) dst(%arg9 : memref<128xi32, #tpu.memory_space<vmem>>)
        %dma_start3A_96 = arith.constant 0 : i32
        %dma_start3A_97 = arith.constant 0 : i32
        %dma_start3A_98 = tpu.memref_slice %arg2[%dma_start3A_96, %dma_start3A_97] : memref<20000x128xf32, #tpu.memory_space<hbm>> -> memref<20000x128xf32, #tpu.memory_space<hbm>>
        tpu.enqueue_indirect_dma source(%dma_start3A_98 : memref<20000x128xf32, #tpu.memory_space<hbm>>) target(%arg11 : memref<128x128xf32, #tpu.memory_space<vmem>>) offsets(%arg7 : memref<128xi32, #tpu.memory_space<vmem>>) semaphore(%arg14 : memref<!tpu.dma_semaphore, #tpu.memory_space<semaphore_mem>>)
      } else {
      }
      %dma_wait3A_74 = arith.constant 0 : i32
      %dma_wait3A_75 = arith.constant 0 : i32
      %dma_wait3A_76 = tpu.memref_slice %arg2[%dma_wait3A_74, %dma_wait3A_75] : memref<20000x128xf32, #tpu.memory_space<hbm>> -> memref<20000x128xf32, #tpu.memory_space<hbm>>
      tpu.wait_indirect_dma semaphore(%arg15 : memref<!tpu.dma_semaphore, #tpu.memory_space<semaphore_mem>>) src(%dma_wait3A_76 : memref<20000x128xf32, #tpu.memory_space<hbm>>) dst(%arg12 : memref<128x128xf32, #tpu.memory_space<vmem>>)
      "tpu.region"() ({
        %run_scoped3A = tpu.sem_alloc : memref<!tpu.dma_semaphore, #tpu.memory_space<semaphore_mem>>
        %dma_start3A_84 = arith.constant 0 : i32
        %dma_start3A_85 = arith.constant 0 : i32
        %dma_start3A_86 = tpu.memref_slice %arg13[%dma_start3A_84, %dma_start3A_85] : memref<10240x128xf32, #tpu.memory_space<vmem_shared>> -> memref<10240x128xf32, #tpu.memory_space<vmem_shared>>
        tpu.enqueue_indirect_dma source(%arg12 : memref<128x128xf32, #tpu.memory_space<vmem>>) target(%dma_start3A_86 : memref<10240x128xf32, #tpu.memory_space<vmem_shared>>) offsets(%arg10 : memref<128xi32, #tpu.memory_space<vmem>>) semaphore(%run_scoped3A : memref<!tpu.dma_semaphore, #tpu.memory_space<semaphore_mem>>) {add = true}
        %dma_wait3A_87 = arith.constant 0 : i32
        %dma_wait3A_88 = arith.constant 0 : i32
        %dma_wait3A_89 = tpu.memref_slice %arg13[%dma_wait3A_87, %dma_wait3A_88] : memref<10240x128xf32, #tpu.memory_space<vmem_shared>> -> memref<10240x128xf32, #tpu.memory_space<vmem_shared>>
        tpu.wait_indirect_dma semaphore(%run_scoped3A : memref<!tpu.dma_semaphore, #tpu.memory_space<semaphore_mem>>) src(%arg12 : memref<128x128xf32, #tpu.memory_space<vmem>>) dst(%dma_wait3A_89 : memref<10240x128xf32, #tpu.memory_space<vmem_shared>>)
        tpu.yield
      }) : () -> ()
      %add3A_77 = arith.constant 2 : i32
      %add3A_78 = arith.addi %add3A_64, %add3A_77 : i32
      %lt3A_79 = arith.constant 158 : i32
      %lt3A_80 = arith.cmpi slt, %add3A_78, %lt3A_79 : i32
      %convert_element_type3A_81 = arith.extui %lt3A_80 : i1 to i32
      %cond3A_82 = arith.constant 0 : i32
      %cond3A_83 = arith.cmpi ne, %convert_element_type3A_81, %cond3A_82 : i32
      scf.if %cond3A_83 {
        %add3A_84 = arith.addi %mul3A_2, %add3A_64 : i32
        %add3A_85 = arith.constant 2 : i32
        %add3A_86 = arith.addi %add3A_84, %add3A_85 : i32
        %dma_start3A_87 = arith.constant 0 : i32
        %dma_start3A_88 = tpu.memref_slice %arg3[%add3A_86, %dma_start3A_87] : memref<5056x128xi32, #tpu.memory_space<hbm>> -> memref<1x128xi32, #tpu.memory_space<hbm>>
        %dma_start3A_89 = tpu.memref_squeeze %dma_start3A_88 : memref<1x128xi32, #tpu.memory_space<hbm>> -> memref<128xi32, #tpu.memory_space<hbm>>
        %dma_start3A_90 = arith.constant 0 : i32
        %dma_start3A_91 = tpu.memref_slice %arg3[%add3A_86, %dma_start3A_90] : memref<5056x128xi32, #tpu.memory_space<hbm>> -> memref<1x128xi32, #tpu.memory_space<hbm>>
        %dma_start3A_92 = tpu.memref_squeeze %dma_start3A_91 : memref<1x128xi32, #tpu.memory_space<hbm>> -> memref<128xi32, #tpu.memory_space<hbm>>
        tpu.enqueue_dma source(%dma_start3A_92 : memref<128xi32, #tpu.memory_space<hbm>>) target(%arg8 : memref<128xi32, #tpu.memory_space<vmem>>) target_semaphore(%arg17 : memref<!tpu.dma_semaphore, #tpu.memory_space<semaphore_mem>>)
        %add3A_93 = arith.addi %mul3A_4, %add3A_64 : i32
        %add3A_94 = arith.constant 2 : i32
        %add3A_95 = arith.addi %add3A_93, %add3A_94 : i32
        %dma_start3A_96 = arith.constant 0 : i32
        %dma_start3A_97 = tpu.memref_slice %arg4[%add3A_95, %dma_start3A_96] : memref<2528x128xi32, #tpu.memory_space<hbm>> -> memref<1x128xi32, #tpu.memory_space<hbm>>
        %dma_start3A_98 = tpu.memref_squeeze %dma_start3A_97 : memref<1x128xi32, #tpu.memory_space<hbm>> -> memref<128xi32, #tpu.memory_space<hbm>>
        %dma_start3A_99 = arith.constant 0 : i32
        %dma_start3A_100 = tpu.memref_slice %arg4[%add3A_95, %dma_start3A_99] : memref<2528x128xi32, #tpu.memory_space<hbm>> -> memref<1x128xi32, #tpu.memory_space<hbm>>
        %dma_start3A_101 = tpu.memref_squeeze %dma_start3A_100 : memref<1x128xi32, #tpu.memory_space<hbm>> -> memref<128xi32, #tpu.memory_space<hbm>>
        tpu.enqueue_dma source(%dma_start3A_101 : memref<128xi32, #tpu.memory_space<hbm>>) target(%arg10 : memref<128xi32, #tpu.memory_space<vmem>>) target_semaphore(%arg17 : memref<!tpu.dma_semaphore, #tpu.memory_space<semaphore_mem>>)
      } else {
      }
    }
    %scan3A_35 = arith.constant 79 : i32
    %barrier3A_36 = arith.constant 0 : index
    tpu.barrier barrier_id(%barrier3A_36)
    %mul3A_37 = arith.constant 640 : i32
    %mul3A_38 = arith.muli %arg1, %mul3A_37 : i32
    %mul3A_39 = arith.constant 10240 : i32
    %mul3A_40 = arith.muli %arg0, %mul3A_39 : i32
    %mul3A_41 = arith.constant 640 : i32
    %mul3A_42 = arith.muli %arg1, %mul3A_41 : i32
    %add3A_43 = arith.addi %mul3A_40, %mul3A_42 : i32
    "tpu.region"() ({
      %run_scoped3A = tpu.sem_alloc : memref<!tpu.dma_semaphore, #tpu.memory_space<semaphore_mem>>
      %dma_start3A_44 = arith.constant 0 : i32
      %dma_start3A_45 = tpu.memref_slice %arg6[%add3A_43, %dma_start3A_44] : memref<20480x128xf32, #tpu.memory_space<hbm>> -> memref<640x128xf32, #tpu.memory_space<hbm>>
      %dma_start3A_46 = arith.constant 0 : i32
      %dma_start3A_47 = tpu.memref_slice %arg13[%mul3A_38, %dma_start3A_46] : memref<10240x128xf32, #tpu.memory_space<vmem_shared>> -> memref<640x128xf32, #tpu.memory_space<vmem_shared>>
      tpu.enqueue_dma source(%dma_start3A_47 : memref<640x128xf32, #tpu.memory_space<vmem_shared>>) target(%dma_start3A_45 : memref<640x128xf32, #tpu.memory_space<hbm>>) target_semaphore(%run_scoped3A : memref<!tpu.dma_semaphore, #tpu.memory_space<semaphore_mem>>)
      %dma_wait3A = arith.constant 0 : i32
      %dma_wait3A_48 = tpu.memref_slice %arg6[%add3A_43, %dma_wait3A] : memref<20480x128xf32, #tpu.memory_space<hbm>> -> memref<640x128xf32, #tpu.memory_space<hbm>>
      %dma_wait3A_49 = arith.constant 0 : i32
      %dma_wait3A_50 = tpu.memref_slice %arg13[%mul3A_38, %dma_wait3A_49] : memref<10240x128xf32, #tpu.memory_space<vmem_shared>> -> memref<640x128xf32, #tpu.memory_space<vmem_shared>>
      tpu.wait_dma2 semaphore(%run_scoped3A : memref<!tpu.dma_semaphore, #tpu.memory_space<semaphore_mem>>) src(%dma_wait3A_50 : memref<640x128xf32, #tpu.memory_space<vmem_shared>>) dst(%dma_wait3A_48 : memref<640x128xf32, #tpu.memory_space<hbm>>)
      tpu.yield
    }) : () -> ()
    return
  }
}

#map = affine_map<(d0, d1) -> (0)>
module attributes {stable_mosaic.version = 14 : i64} {
  func.func @deg(%arg0: i32, %arg1: i32, %arg2: memref<323584xi32, #tpu.memory_space<hbm>>, %arg3: memref<10240xf32, #tpu.memory_space<hbm>>, %arg4: memref<20480xf32, #tpu.memory_space<hbm>>, %arg5: memref<20224xi32, #tpu.memory_space<vmem>>, %arg6: memref<10240xf32, #tpu.memory_space<vmem>>, %arg7: memref<640xf32, #tpu.memory_space<vmem>>, %arg8: memref<640xf32, #tpu.memory_space<vmem>>, %arg9: memref<163840xf32, #tpu.memory_space<vmem_shared>>) attributes {dimension_semantics = [#tpu.dimension_semantics<core_parallel>, #tpu.dimension_semantics<subcore_parallel>], iteration_bounds = array<i64: 2, 16>, scalar_prefetch = 0 : i64, scratch_operands = 5 : i64, tpu.core_type = #tpu.core_type<sc_vector_subcore>, window_params = [{transform_indices = #map}, {transform_indices = #map}, {transform_indices = #map}]} {
    %mul3A = arith.constant 20224 : i32
    %mul3A_0 = arith.muli %arg1, %mul3A : i32
    "tpu.region"() ({
      %run_scoped3A = tpu.sem_alloc : memref<!tpu.dma_semaphore, #tpu.memory_space<semaphore_mem>>
      %dma_start3A = tpu.memref_slice %arg2[%mul3A_0] : memref<323584xi32, #tpu.memory_space<hbm>> -> memref<20224xi32, #tpu.memory_space<hbm>>
      %dma_start3A_21 = tpu.memref_slice %arg2[%mul3A_0] : memref<323584xi32, #tpu.memory_space<hbm>> -> memref<20224xi32, #tpu.memory_space<hbm>>
      tpu.enqueue_dma source(%dma_start3A_21 : memref<20224xi32, #tpu.memory_space<hbm>>) target(%arg5 : memref<20224xi32, #tpu.memory_space<vmem>>) target_semaphore(%run_scoped3A : memref<!tpu.dma_semaphore, #tpu.memory_space<semaphore_mem>>)
      %dma_wait3A = tpu.memref_slice %arg2[%mul3A_0] : memref<323584xi32, #tpu.memory_space<hbm>> -> memref<20224xi32, #tpu.memory_space<hbm>>
      %dma_wait3A_22 = tpu.memref_slice %arg2[%mul3A_0] : memref<323584xi32, #tpu.memory_space<hbm>> -> memref<20224xi32, #tpu.memory_space<hbm>>
      tpu.wait_dma2 semaphore(%run_scoped3A : memref<!tpu.dma_semaphore, #tpu.memory_space<semaphore_mem>>) src(%dma_wait3A_22 : memref<20224xi32, #tpu.memory_space<hbm>>) dst(%arg5 : memref<20224xi32, #tpu.memory_space<vmem>>)
      tpu.yield
    }) : () -> ()
    "tpu.region"() ({
      %run_scoped3A = tpu.sem_alloc : memref<!tpu.dma_semaphore, #tpu.memory_space<semaphore_mem>>
      tpu.enqueue_dma source(%arg3 : memref<10240xf32, #tpu.memory_space<hbm>>) target(%arg6 : memref<10240xf32, #tpu.memory_space<vmem>>) target_semaphore(%run_scoped3A : memref<!tpu.dma_semaphore, #tpu.memory_space<semaphore_mem>>)
      tpu.wait_dma2 semaphore(%run_scoped3A : memref<!tpu.dma_semaphore, #tpu.memory_space<semaphore_mem>>) src(%arg3 : memref<10240xf32, #tpu.memory_space<hbm>>) dst(%arg6 : memref<10240xf32, #tpu.memory_space<vmem>>)
      tpu.yield
    }) : () -> ()
    %broadcast_in_dim3A = arith.constant 1.000000e+00 : f32
    %broadcast_in_dim3A_1 = vector.broadcast %broadcast_in_dim3A : f32 to vector<16xf32>
    %scan3A = arith.constant 0 : i32
    %scan3A_2 = arith.constant 0 : i32
    %scan3A_3 = arith.constant 1264 : i32
    %scan3A_4 = arith.addi %scan3A_2, %scan3A_3 : i32
    %scan3A_5 = arith.constant 1 : i32
    scf.for %scan3A_21 = %scan3A_2 to %scan3A_4 step %scan3A_5  : i32 {
      %mul3A_22 = arith.constant 16 : i32
      %mul3A_23 = arith.muli %scan3A_21, %mul3A_22 : i32
      %get3A = arith.index_cast %mul3A_23 : i32 to index
      %get3A_24 = tpu.vector_load %arg5[%get3A] {strides = array<i32>} : memref<20224xi32, #tpu.memory_space<vmem>>, vector<16xi32>,
      tpu.vector_store_idx %arg6[%get3A_24], %broadcast_in_dim3A_1 {add = true} : memref<10240xf32, #tpu.memory_space<vmem>>[vector<16xi32>], vector<16xf32>,
    }
    %scan3A_6 = arith.constant 1264 : i32
    %mul3A_7 = arith.constant 10240 : i32
    %mul3A_8 = arith.muli %arg1, %mul3A_7 : i32
    "tpu.region"() ({
      %run_scoped3A = tpu.sem_alloc : memref<!tpu.dma_semaphore, #tpu.memory_space<semaphore_mem>>
      %dma_start3A = tpu.memref_slice %arg9[%mul3A_8] : memref<163840xf32, #tpu.memory_space<vmem_shared>> -> memref<10240xf32, #tpu.memory_space<vmem_shared>>
      %dma_start3A_21 = tpu.memref_slice %arg9[%mul3A_8] : memref<163840xf32, #tpu.memory_space<vmem_shared>> -> memref<10240xf32, #tpu.memory_space<vmem_shared>>
      tpu.enqueue_dma source(%arg6 : memref<10240xf32, #tpu.memory_space<vmem>>) target(%dma_start3A_21 : memref<10240xf32, #tpu.memory_space<vmem_shared>>) target_semaphore(%run_scoped3A : memref<!tpu.dma_semaphore, #tpu.memory_space<semaphore_mem>>)
      %dma_wait3A = tpu.memref_slice %arg9[%mul3A_8] : memref<163840xf32, #tpu.memory_space<vmem_shared>> -> memref<10240xf32, #tpu.memory_space<vmem_shared>>
      %dma_wait3A_22 = tpu.memref_slice %arg9[%mul3A_8] : memref<163840xf32, #tpu.memory_space<vmem_shared>> -> memref<10240xf32, #tpu.memory_space<vmem_shared>>
      tpu.wait_dma2 semaphore(%run_scoped3A : memref<!tpu.dma_semaphore, #tpu.memory_space<semaphore_mem>>) src(%arg6 : memref<10240xf32, #tpu.memory_space<vmem>>) dst(%dma_wait3A_22 : memref<10240xf32, #tpu.memory_space<vmem_shared>>)
      tpu.yield
    }) : () -> ()
    %barrier3A = arith.constant 0 : index
    tpu.barrier barrier_id(%barrier3A)
    %mul3A_9 = arith.constant 640 : i32
    %mul3A_10 = arith.muli %arg1, %mul3A_9 : i32
    "tpu.region"() ({
      %run_scoped3A = tpu.sem_alloc : memref<!tpu.dma_semaphore, #tpu.memory_space<semaphore_mem>>
      %dma_start3A = tpu.memref_slice %arg9[%mul3A_10] : memref<163840xf32, #tpu.memory_space<vmem_shared>> -> memref<640xf32, #tpu.memory_space<vmem_shared>>
      %dma_start3A_21 = tpu.memref_slice %arg9[%mul3A_10] : memref<163840xf32, #tpu.memory_space<vmem_shared>> -> memref<640xf32, #tpu.memory_space<vmem_shared>>
      tpu.enqueue_dma source(%dma_start3A_21 : memref<640xf32, #tpu.memory_space<vmem_shared>>) target(%arg8 : memref<640xf32, #tpu.memory_space<vmem>>) target_semaphore(%run_scoped3A : memref<!tpu.dma_semaphore, #tpu.memory_space<semaphore_mem>>)
      %dma_wait3A = tpu.memref_slice %arg9[%mul3A_10] : memref<163840xf32, #tpu.memory_space<vmem_shared>> -> memref<640xf32, #tpu.memory_space<vmem_shared>>
      %dma_wait3A_22 = tpu.memref_slice %arg9[%mul3A_10] : memref<163840xf32, #tpu.memory_space<vmem_shared>> -> memref<640xf32, #tpu.memory_space<vmem_shared>>
      tpu.wait_dma2 semaphore(%run_scoped3A : memref<!tpu.dma_semaphore, #tpu.memory_space<semaphore_mem>>) src(%dma_wait3A_22 : memref<640xf32, #tpu.memory_space<vmem_shared>>) dst(%arg8 : memref<640xf32, #tpu.memory_space<vmem>>)
      tpu.yield
    }) : () -> ()
    %scan3A_11 = arith.constant 0 : i32
    %scan3A_12 = arith.constant 1 : i32
    %scan3A_13 = arith.constant 15 : i32
    %scan3A_14 = arith.addi %scan3A_12, %scan3A_13 : i32
    %scan3A_15 = arith.constant 1 : i32
    scf.for %scan3A_21 = %scan3A_12 to %scan3A_14 step %scan3A_15  : i32 {
      %mul3A_22 = arith.constant 10240 : i32
      %mul3A_23 = arith.muli %scan3A_21, %mul3A_22 : i32
      %mul3A_24 = arith.constant 640 : i32
      %mul3A_25 = arith.muli %arg1, %mul3A_24 : i32
      %add3A_26 = arith.addi %mul3A_23, %mul3A_25 : i32
      "tpu.region"() ({
        %run_scoped3A = tpu.sem_alloc : memref<!tpu.dma_semaphore, #tpu.memory_space<semaphore_mem>>
        %dma_start3A = tpu.memref_slice %arg9[%add3A_26] : memref<163840xf32, #tpu.memory_space<vmem_shared>> -> memref<640xf32, #tpu.memory_space<vmem_shared>>
        %dma_start3A_33 = tpu.memref_slice %arg9[%add3A_26] : memref<163840xf32, #tpu.memory_space<vmem_shared>> -> memref<640xf32, #tpu.memory_space<vmem_shared>>
        tpu.enqueue_dma source(%dma_start3A_33 : memref<640xf32, #tpu.memory_space<vmem_shared>>) target(%arg7 : memref<640xf32, #tpu.memory_space<vmem>>) target_semaphore(%run_scoped3A : memref<!tpu.dma_semaphore, #tpu.memory_space<semaphore_mem>>)
        %dma_wait3A = tpu.memref_slice %arg9[%add3A_26] : memref<163840xf32, #tpu.memory_space<vmem_shared>> -> memref<640xf32, #tpu.memory_space<vmem_shared>>
        %dma_wait3A_34 = tpu.memref_slice %arg9[%add3A_26] : memref<163840xf32, #tpu.memory_space<vmem_shared>> -> memref<640xf32, #tpu.memory_space<vmem_shared>>
        tpu.wait_dma2 semaphore(%run_scoped3A : memref<!tpu.dma_semaphore, #tpu.memory_space<semaphore_mem>>) src(%dma_wait3A_34 : memref<640xf32, #tpu.memory_space<vmem_shared>>) dst(%arg7 : memref<640xf32, #tpu.memory_space<vmem>>)
        tpu.yield
      }) : () -> ()
      %scan3A_27 = arith.constant 0 : i32
      %scan3A_28 = arith.constant 0 : i32
      %scan3A_29 = arith.constant 40 : i32
      %scan3A_30 = arith.addi %scan3A_28, %scan3A_29 : i32
      %scan3A_31 = arith.constant 1 : i32
      scf.for %scan3A_33 = %scan3A_28 to %scan3A_30 step %scan3A_31  : i32 {
        %mul3A_34 = arith.constant 16 : i32
        %mul3A_35 = arith.muli %scan3A_33, %mul3A_34 : i32
        %get3A = arith.index_cast %mul3A_35 : i32 to index
        %get3A_36 = tpu.vector_load %arg8[%get3A] {strides = array<i32>} : memref<640xf32, #tpu.memory_space<vmem>>, vector<16xf32>,
        %get3A_37 = arith.index_cast %mul3A_35 : i32 to index
        %get3A_38 = tpu.vector_load %arg7[%get3A_37] {strides = array<i32>} : memref<640xf32, #tpu.memory_space<vmem>>, vector<16xf32>,
        %add3A_39 = arith.addf %get3A_36, %get3A_38 : vector<16xf32>
        %swap3A = arith.index_cast %mul3A_35 : i32 to index
        %swap3A_40 = tpu.vector_load %arg8[%swap3A] {strides = array<i32>} : memref<640xf32, #tpu.memory_space<vmem>>, vector<16xf32>,
        tpu.vector_store %arg8[%swap3A], %add3A_39 {strides = array<i32>} : memref<640xf32, #tpu.memory_space<vmem>>, vector<16xf32>,
      }
      %scan3A_32 = arith.constant 40 : i32
    }
    %scan3A_16 = arith.constant 15 : i32
    %mul3A_17 = arith.constant 10240 : i32
    %mul3A_18 = arith.muli %arg0, %mul3A_17 : i32
    %mul3A_19 = arith.constant 640 : i32
    %mul3A_20 = arith.muli %arg1, %mul3A_19 : i32
    %add3A = arith.addi %mul3A_18, %mul3A_20 : i32
    "tpu.region"() ({
      %run_scoped3A = tpu.sem_alloc : memref<!tpu.dma_semaphore, #tpu.memory_space<semaphore_mem>>
      %dma_start3A = tpu.memref_slice %arg4[%add3A] : memref<20480xf32, #tpu.memory_space<hbm>> -> memref<640xf32, #tpu.memory_space<hbm>>
      %dma_start3A_21 = tpu.memref_slice %arg4[%add3A] : memref<20480xf32, #tpu.memory_space<hbm>> -> memref<640xf32, #tpu.memory_space<hbm>>
      tpu.enqueue_dma source(%arg8 : memref<640xf32, #tpu.memory_space<vmem>>) target(%dma_start3A_21 : memref<640xf32, #tpu.memory_space<hbm>>) target_semaphore(%run_scoped3A : memref<!tpu.dma_semaphore, #tpu.memory_space<semaphore_mem>>)
      %dma_wait3A = tpu.memref_slice %arg4[%add3A] : memref<20480xf32, #tpu.memory_space<hbm>> -> memref<640xf32, #tpu.memory_space<hbm>>
      %dma_wait3A_22 = tpu.memref_slice %arg4[%add3A] : memref<20480xf32, #tpu.memory_space<hbm>> -> memref<640xf32, #tpu.memory_space<hbm>>
      tpu.wait_dma2 semaphore(%run_scoped3A : memref<!tpu.dma_semaphore, #tpu.memory_space<semaphore_mem>>) src(%arg8 : memref<640xf32, #tpu.memory_space<vmem>>) dst(%dma_wait3A_22 : memref<640xf32, #tpu.memory_space<hbm>>)
      tpu.yield
    }) : () -> ()
    return
  }
}

#map = affine_map<(d0, d1) -> (0, 0)>
module attributes {stable_mosaic.version = 14 : i64} {
  func.func @scat(%arg0: i32, %arg1: i32, %arg2: memref<20000x128xf32, #tpu.memory_space<hbm>>, %arg3: memref<5056x128xi32, #tpu.memory_space<hbm>>, %arg4: memref<2528x128xi32, #tpu.memory_space<hbm>>, %arg5: memref<10240x128xf32, #tpu.memory_space<hbm>>, %arg6: memref<20480x128xf32, #tpu.memory_space<hbm>>, %arg7: memref<128xi32, #tpu.memory_space<vmem>>, %arg8: memref<128xi32, #tpu.memory_space<vmem>>, %arg9: memref<128xi32, #tpu.memory_space<vmem>>, %arg10: memref<128xi32, #tpu.memory_space<vmem>>, %arg11: memref<128x128xf32, #tpu.memory_space<vmem>>, %arg12: memref<128x128xf32, #tpu.memory_space<vmem>>, %arg13: memref<10240x128xf32, #tpu.memory_space<vmem_shared>>, %arg14: memref<!tpu.dma_semaphore, #tpu.memory_space<semaphore_mem>>, %arg15: memref<!tpu.dma_semaphore, #tpu.memory_space<semaphore_mem>>, %arg16: memref<!tpu.dma_semaphore, #tpu.memory_space<semaphore_mem>>, %arg17: memref<!tpu.dma_semaphore, #tpu.memory_space<semaphore_mem>>) attributes {dimension_semantics = [#tpu.dimension_semantics<core_parallel>, #tpu.dimension_semantics<subcore_parallel>], iteration_bounds = array<i64: 2, 16>, scalar_prefetch = 0 : i64, scratch_operands = 11 : i64, tpu.core_type = #tpu.core_type<sc_vector_subcore>, window_params = [{transform_indices = #map}, {transform_indices = #map}, {transform_indices = #map}, {transform_indices = #map}, {transform_indices = #map}]} {
    %mul3A = arith.constant 16 : i32
    %mul3A_0 = arith.muli %arg0, %mul3A : i32
    %add3A = arith.addi %mul3A_0, %arg1 : i32
    %mul3A_1 = arith.constant 158 : i32
    %mul3A_2 = arith.muli %add3A, %mul3A_1 : i32
    %mul3A_3 = arith.constant 158 : i32
    %mul3A_4 = arith.muli %arg1, %mul3A_3 : i32
    %mul3A_5 = arith.constant 640 : i32
    %mul3A_6 = arith.muli %arg1, %mul3A_5 : i32
    %mul3A_7 = arith.constant 640 : i32
    %mul3A_8 = arith.muli %arg1, %mul3A_7 : i32
    "tpu.region"() ({
      %run_scoped3A = tpu.sem_alloc : memref<!tpu.dma_semaphore, #tpu.memory_space<semaphore_mem>>
      %dma_start3A_44 = arith.constant 0 : i32
      %dma_start3A_45 = tpu.memref_slice %arg13[%mul3A_8, %dma_start3A_44] : memref<10240x128xf32, #tpu.memory_space<vmem_shared>> -> memref<640x128xf32, #tpu.memory_space<vmem_shared>>
      %dma_start3A_46 = arith.constant 0 : i32
      %dma_start3A_47 = tpu.memref_slice %arg5[%mul3A_6, %dma_start3A_46] : memref<10240x128xf32, #tpu.memory_space<hbm>> -> memref<640x128xf32, #tpu.memory_space<hbm>>
      tpu.enqueue_dma source(%dma_start3A_47 : memref<640x128xf32, #tpu.memory_space<hbm>>) target(%dma_start3A_45 : memref<640x128xf32, #tpu.memory_space<vmem_shared>>) target_semaphore(%run_scoped3A : memref<!tpu.dma_semaphore, #tpu.memory_space<semaphore_mem>>)
      %dma_wait3A = arith.constant 0 : i32
      %dma_wait3A_48 = tpu.memref_slice %arg13[%mul3A_8, %dma_wait3A] : memref<10240x128xf32, #tpu.memory_space<vmem_shared>> -> memref<640x128xf32, #tpu.memory_space<vmem_shared>>
      %dma_wait3A_49 = arith.constant 0 : i32
      %dma_wait3A_50 = tpu.memref_slice %arg5[%mul3A_6, %dma_wait3A_49] : memref<10240x128xf32, #tpu.memory_space<hbm>> -> memref<640x128xf32, #tpu.memory_space<hbm>>
      tpu.wait_dma2 semaphore(%run_scoped3A : memref<!tpu.dma_semaphore, #tpu.memory_space<semaphore_mem>>) src(%dma_wait3A_50 : memref<640x128xf32, #tpu.memory_space<hbm>>) dst(%dma_wait3A_48 : memref<640x128xf32, #tpu.memory_space<vmem_shared>>)
      tpu.yield
    }) : () -> ()
    %barrier3A = arith.constant 0 : index
    tpu.barrier barrier_id(%barrier3A)
    %add3A_9 = arith.constant 0 : i32
    %add3A_10 = arith.addi %mul3A_2, %add3A_9 : i32
    "tpu.region"() ({
      %run_scoped3A = tpu.sem_alloc : memref<!tpu.dma_semaphore, #tpu.memory_space<semaphore_mem>>
      %dma_start3A_44 = arith.constant 0 : i32
      %dma_start3A_45 = tpu.memref_slice %arg3[%add3A_10, %dma_start3A_44] : memref<5056x128xi32, #tpu.memory_space<hbm>> -> memref<1x128xi32, #tpu.memory_space<hbm>>
      %dma_start3A_46 = tpu.memref_squeeze %dma_start3A_45 : memref<1x128xi32, #tpu.memory_space<hbm>> -> memref<128xi32, #tpu.memory_space<hbm>>
      %dma_start3A_47 = arith.constant 0 : i32
      %dma_start3A_48 = tpu.memref_slice %arg3[%add3A_10, %dma_start3A_47] : memref<5056x128xi32, #tpu.memory_space<hbm>> -> memref<1x128xi32, #tpu.memory_space<hbm>>
      %dma_start3A_49 = tpu.memref_squeeze %dma_start3A_48 : memref<1x128xi32, #tpu.memory_space<hbm>> -> memref<128xi32, #tpu.memory_space<hbm>>
      tpu.enqueue_dma source(%dma_start3A_49 : memref<128xi32, #tpu.memory_space<hbm>>) target(%arg7 : memref<128xi32, #tpu.memory_space<vmem>>) target_semaphore(%run_scoped3A : memref<!tpu.dma_semaphore, #tpu.memory_space<semaphore_mem>>)
      %dma_wait3A = arith.constant 0 : i32
      %dma_wait3A_50 = tpu.memref_slice %arg3[%add3A_10, %dma_wait3A] : memref<5056x128xi32, #tpu.memory_space<hbm>> -> memref<1x128xi32, #tpu.memory_space<hbm>>
      %dma_wait3A_51 = tpu.memref_squeeze %dma_wait3A_50 : memref<1x128xi32, #tpu.memory_space<hbm>> -> memref<128xi32, #tpu.memory_space<hbm>>
      %dma_wait3A_52 = arith.constant 0 : i32
      %dma_wait3A_53 = tpu.memref_slice %arg3[%add3A_10, %dma_wait3A_52] : memref<5056x128xi32, #tpu.memory_space<hbm>> -> memref<1x128xi32, #tpu.memory_space<hbm>>
      %dma_wait3A_54 = tpu.memref_squeeze %dma_wait3A_53 : memref<1x128xi32, #tpu.memory_space<hbm>> -> memref<128xi32, #tpu.memory_space<hbm>>
      tpu.wait_dma2 semaphore(%run_scoped3A : memref<!tpu.dma_semaphore, #tpu.memory_space<semaphore_mem>>) src(%dma_wait3A_54 : memref<128xi32, #tpu.memory_space<hbm>>) dst(%arg7 : memref<128xi32, #tpu.memory_space<vmem>>)
      tpu.yield
    }) : () -> ()
    %add3A_11 = arith.constant 0 : i32
    %add3A_12 = arith.addi %mul3A_4, %add3A_11 : i32
    "tpu.region"() ({
      %run_scoped3A = tpu.sem_alloc : memref<!tpu.dma_semaphore, #tpu.memory_space<semaphore_mem>>
      %dma_start3A_44 = arith.constant 0 : i32
      %dma_start3A_45 = tpu.memref_slice %arg4[%add3A_12, %dma_start3A_44] : memref<2528x128xi32, #tpu.memory_space<hbm>> -> memref<1x128xi32, #tpu.memory_space<hbm>>
      %dma_start3A_46 = tpu.memref_squeeze %dma_start3A_45 : memref<1x128xi32, #tpu.memory_space<hbm>> -> memref<128xi32, #tpu.memory_space<hbm>>
      %dma_start3A_47 = arith.constant 0 : i32
      %dma_start3A_48 = tpu.memref_slice %arg4[%add3A_12, %dma_start3A_47] : memref<2528x128xi32, #tpu.memory_space<hbm>> -> memref<1x128xi32, #tpu.memory_space<hbm>>
      %dma_start3A_49 = tpu.memref_squeeze %dma_start3A_48 : memref<1x128xi32, #tpu.memory_space<hbm>> -> memref<128xi32, #tpu.memory_space<hbm>>
      tpu.enqueue_dma source(%dma_start3A_49 : memref<128xi32, #tpu.memory_space<hbm>>) target(%arg9 : memref<128xi32, #tpu.memory_space<vmem>>) target_semaphore(%run_scoped3A : memref<!tpu.dma_semaphore, #tpu.memory_space<semaphore_mem>>)
      %dma_wait3A = arith.constant 0 : i32
      %dma_wait3A_50 = tpu.memref_slice %arg4[%add3A_12, %dma_wait3A] : memref<2528x128xi32, #tpu.memory_space<hbm>> -> memref<1x128xi32, #tpu.memory_space<hbm>>
      %dma_wait3A_51 = tpu.memref_squeeze %dma_wait3A_50 : memref<1x128xi32, #tpu.memory_space<hbm>> -> memref<128xi32, #tpu.memory_space<hbm>>
      %dma_wait3A_52 = arith.constant 0 : i32
      %dma_wait3A_53 = tpu.memref_slice %arg4[%add3A_12, %dma_wait3A_52] : memref<2528x128xi32, #tpu.memory_space<hbm>> -> memref<1x128xi32, #tpu.memory_space<hbm>>
      %dma_wait3A_54 = tpu.memref_squeeze %dma_wait3A_53 : memref<1x128xi32, #tpu.memory_space<hbm>> -> memref<128xi32, #tpu.memory_space<hbm>>
      tpu.wait_dma2 semaphore(%run_scoped3A : memref<!tpu.dma_semaphore, #tpu.memory_space<semaphore_mem>>) src(%dma_wait3A_54 : memref<128xi32, #tpu.memory_space<hbm>>) dst(%arg9 : memref<128xi32, #tpu.memory_space<vmem>>)
      tpu.yield
    }) : () -> ()
    %dma_start3A = arith.constant 0 : i32
    %dma_start3A_13 = arith.constant 0 : i32
    %dma_start3A_14 = tpu.memref_slice %arg2[%dma_start3A, %dma_start3A_13] : memref<20000x128xf32, #tpu.memory_space<hbm>> -> memref<20000x128xf32, #tpu.memory_space<hbm>>
    tpu.enqueue_indirect_dma source(%dma_start3A_14 : memref<20000x128xf32, #tpu.memory_space<hbm>>) target(%arg11 : memref<128x128xf32, #tpu.memory_space<vmem>>) offsets(%arg7 : memref<128xi32, #tpu.memory_space<vmem>>) semaphore(%arg14 : memref<!tpu.dma_semaphore, #tpu.memory_space<semaphore_mem>>)
    %add3A_15 = arith.constant 1 : i32
    %add3A_16 = arith.addi %mul3A_2, %add3A_15 : i32
    %dma_start3A_17 = arith.constant 0 : i32
    %dma_start3A_18 = tpu.memref_slice %arg3[%add3A_16, %dma_start3A_17] : memref<5056x128xi32, #tpu.memory_space<hbm>> -> memref<1x128xi32, #tpu.memory_space<hbm>>
    %dma_start3A_19 = tpu.memref_squeeze %dma_start3A_18 : memref<1x128xi32, #tpu.memory_space<hbm>> -> memref<128xi32, #tpu.memory_space<hbm>>
    %dma_start3A_20 = arith.constant 0 : i32
    %dma_start3A_21 = tpu.memref_slice %arg3[%add3A_16, %dma_start3A_20] : memref<5056x128xi32, #tpu.memory_space<hbm>> -> memref<1x128xi32, #tpu.memory_space<hbm>>
    %dma_start3A_22 = tpu.memref_squeeze %dma_start3A_21 : memref<1x128xi32, #tpu.memory_space<hbm>> -> memref<128xi32, #tpu.memory_space<hbm>>
    tpu.enqueue_dma source(%dma_start3A_22 : memref<128xi32, #tpu.memory_space<hbm>>) target(%arg8 : memref<128xi32, #tpu.memory_space<vmem>>) target_semaphore(%arg17 : memref<!tpu.dma_semaphore, #tpu.memory_space<semaphore_mem>>)
    %add3A_23 = arith.constant 1 : i32
    %add3A_24 = arith.addi %mul3A_4, %add3A_23 : i32
    %dma_start3A_25 = arith.constant 0 : i32
    %dma_start3A_26 = tpu.memref_slice %arg4[%add3A_24, %dma_start3A_25] : memref<2528x128xi32, #tpu.memory_space<hbm>> -> memref<1x128xi32, #tpu.memory_space<hbm>>
    %dma_start3A_27 = tpu.memref_squeeze %dma_start3A_26 : memref<1x128xi32, #tpu.memory_space<hbm>> -> memref<128xi32, #tpu.memory_space<hbm>>
    %dma_start3A_28 = arith.constant 0 : i32
    %dma_start3A_29 = tpu.memref_slice %arg4[%add3A_24, %dma_start3A_28] : memref<2528x128xi32, #tpu.memory_space<hbm>> -> memref<1x128xi32, #tpu.memory_space<hbm>>
    %dma_start3A_30 = tpu.memref_squeeze %dma_start3A_29 : memref<1x128xi32, #tpu.memory_space<hbm>> -> memref<128xi32, #tpu.memory_space<hbm>>
    tpu.enqueue_dma source(%dma_start3A_30 : memref<128xi32, #tpu.memory_space<hbm>>) target(%arg10 : memref<128xi32, #tpu.memory_space<vmem>>) target_semaphore(%arg17 : memref<!tpu.dma_semaphore, #tpu.memory_space<semaphore_mem>>)
    %scan3A = arith.constant 0 : i32
    %scan3A_31 = arith.constant 0 : i32
    %scan3A_32 = arith.constant 79 : i32
    %scan3A_33 = arith.addi %scan3A_31, %scan3A_32 : i32
    %scan3A_34 = arith.constant 1 : i32
    scf.for %scan3A_44 = %scan3A_31 to %scan3A_33 step %scan3A_34  : i32 {
      %mul3A_45 = arith.constant 2 : i32
      %mul3A_46 = arith.muli %scan3A_44, %mul3A_45 : i32
      %add3A_47 = arith.constant 0 : i32
      %add3A_48 = arith.addi %mul3A_46, %add3A_47 : i32
      %add3A_49 = arith.constant 2 : i32
      %add3A_50 = arith.addi %add3A_48, %add3A_49 : i32
      %sub3A = arith.constant 1 : i32
      %sub3A_51 = arith.subi %add3A_50, %sub3A : i32
      %lt3A = arith.constant 158 : i32
      %lt3A_52 = arith.cmpi slt, %sub3A_51, %lt3A : i32
      %convert_element_type3A = arith.extui %lt3A_52 : i1 to i32
      %cond3A = arith.constant 0 : i32
      %cond3A_53 = arith.cmpi ne, %convert_element_type3A, %cond3A : i32
      scf.if %cond3A_53 {
        %dma_wait3A_84 = arith.constant 0 : i32
        %dma_wait3A_85 = tpu.memref_slice %arg3[%mul3A_2, %dma_wait3A_84] : memref<5056x128xi32, #tpu.memory_space<hbm>> -> memref<1x128xi32, #tpu.memory_space<hbm>>
        %dma_wait3A_86 = tpu.memref_squeeze %dma_wait3A_85 : memref<1x128xi32, #tpu.memory_space<hbm>> -> memref<128xi32, #tpu.memory_space<hbm>>
        %dma_wait3A_87 = arith.constant 0 : i32
        %dma_wait3A_88 = tpu.memref_slice %arg3[%mul3A_2, %dma_wait3A_87] : memref<5056x128xi32, #tpu.memory_space<hbm>> -> memref<1x128xi32, #tpu.memory_space<hbm>>
        %dma_wait3A_89 = tpu.memref_squeeze %dma_wait3A_88 : memref<1x128xi32, #tpu.memory_space<hbm>> -> memref<128xi32, #tpu.memory_space<hbm>>
        tpu.wait_dma2 semaphore(%arg17 : memref<!tpu.dma_semaphore, #tpu.memory_space<semaphore_mem>>) src(%dma_wait3A_89 : memref<128xi32, #tpu.memory_space<hbm>>) dst(%arg8 : memref<128xi32, #tpu.memory_space<vmem>>)
        %dma_wait3A_90 = arith.constant 0 : i32
        %dma_wait3A_91 = tpu.memref_slice %arg4[%mul3A_4, %dma_wait3A_90] : memref<2528x128xi32, #tpu.memory_space<hbm>> -> memref<1x128xi32, #tpu.memory_space<hbm>>
        %dma_wait3A_92 = tpu.memref_squeeze %dma_wait3A_91 : memref<1x128xi32, #tpu.memory_space<hbm>> -> memref<128xi32, #tpu.memory_space<hbm>>
        %dma_wait3A_93 = arith.constant 0 : i32
        %dma_wait3A_94 = tpu.memref_slice %arg4[%mul3A_4, %dma_wait3A_93] : memref<2528x128xi32, #tpu.memory_space<hbm>> -> memref<1x128xi32, #tpu.memory_space<hbm>>
        %dma_wait3A_95 = tpu.memref_squeeze %dma_wait3A_94 : memref<1x128xi32, #tpu.memory_space<hbm>> -> memref<128xi32, #tpu.memory_space<hbm>>
        tpu.wait_dma2 semaphore(%arg17 : memref<!tpu.dma_semaphore, #tpu.memory_space<semaphore_mem>>) src(%dma_wait3A_95 : memref<128xi32, #tpu.memory_space<hbm>>) dst(%arg10 : memref<128xi32, #tpu.memory_space<vmem>>)
        %dma_start3A_96 = arith.constant 0 : i32
        %dma_start3A_97 = arith.constant 0 : i32
        %dma_start3A_98 = tpu.memref_slice %arg2[%dma_start3A_96, %dma_start3A_97] : memref<20000x128xf32, #tpu.memory_space<hbm>> -> memref<20000x128xf32, #tpu.memory_space<hbm>>
        tpu.enqueue_indirect_dma source(%dma_start3A_98 : memref<20000x128xf32, #tpu.memory_space<hbm>>) target(%arg12 : memref<128x128xf32, #tpu.memory_space<vmem>>) offsets(%arg8 : memref<128xi32, #tpu.memory_space<vmem>>) semaphore(%arg15 : memref<!tpu.dma_semaphore, #tpu.memory_space<semaphore_mem>>)
      } else {
      }
      %dma_wait3A = arith.constant 0 : i32
      %dma_wait3A_54 = arith.constant 0 : i32
      %dma_wait3A_55 = tpu.memref_slice %arg2[%dma_wait3A, %dma_wait3A_54] : memref<20000x128xf32, #tpu.memory_space<hbm>> -> memref<20000x128xf32, #tpu.memory_space<hbm>>
      tpu.wait_indirect_dma semaphore(%arg14 : memref<!tpu.dma_semaphore, #tpu.memory_space<semaphore_mem>>) src(%dma_wait3A_55 : memref<20000x128xf32, #tpu.memory_space<hbm>>) dst(%arg11 : memref<128x128xf32, #tpu.memory_space<vmem>>)
      "tpu.region"() ({
        %run_scoped3A = tpu.sem_alloc : memref<!tpu.dma_semaphore, #tpu.memory_space<semaphore_mem>>
        %dma_start3A_84 = arith.constant 0 : i32
        %dma_start3A_85 = arith.constant 0 : i32
        %dma_start3A_86 = tpu.memref_slice %arg13[%dma_start3A_84, %dma_start3A_85] : memref<10240x128xf32, #tpu.memory_space<vmem_shared>> -> memref<10240x128xf32, #tpu.memory_space<vmem_shared>>
        tpu.enqueue_indirect_dma source(%arg11 : memref<128x128xf32, #tpu.memory_space<vmem>>) target(%dma_start3A_86 : memref<10240x128xf32, #tpu.memory_space<vmem_shared>>) offsets(%arg9 : memref<128xi32, #tpu.memory_space<vmem>>) semaphore(%run_scoped3A : memref<!tpu.dma_semaphore, #tpu.memory_space<semaphore_mem>>) {add = true}
        %dma_wait3A_87 = arith.constant 0 : i32
        %dma_wait3A_88 = arith.constant 0 : i32
        %dma_wait3A_89 = tpu.memref_slice %arg13[%dma_wait3A_87, %dma_wait3A_88] : memref<10240x128xf32, #tpu.memory_space<vmem_shared>> -> memref<10240x128xf32, #tpu.memory_space<vmem_shared>>
        tpu.wait_indirect_dma semaphore(%run_scoped3A : memref<!tpu.dma_semaphore, #tpu.memory_space<semaphore_mem>>) src(%arg11 : memref<128x128xf32, #tpu.memory_space<vmem>>) dst(%dma_wait3A_89 : memref<10240x128xf32, #tpu.memory_space<vmem_shared>>)
        tpu.yield
      }) : () -> ()
      %add3A_56 = arith.constant 2 : i32
      %add3A_57 = arith.addi %add3A_48, %add3A_56 : i32
      %lt3A_58 = arith.constant 158 : i32
      %lt3A_59 = arith.cmpi slt, %add3A_57, %lt3A_58 : i32
      %convert_element_type3A_60 = arith.extui %lt3A_59 : i1 to i32
      %cond3A_61 = arith.constant 0 : i32
      %cond3A_62 = arith.cmpi ne, %convert_element_type3A_60, %cond3A_61 : i32
      scf.if %cond3A_62 {
        %add3A_84 = arith.addi %mul3A_2, %add3A_48 : i32
        %add3A_85 = arith.constant 2 : i32
        %add3A_86 = arith.addi %add3A_84, %add3A_85 : i32
        %dma_start3A_87 = arith.constant 0 : i32
        %dma_start3A_88 = tpu.memref_slice %arg3[%add3A_86, %dma_start3A_87] : memref<5056x128xi32, #tpu.memory_space<hbm>> -> memref<1x128xi32, #tpu.memory_space<hbm>>
        %dma_start3A_89 = tpu.memref_squeeze %dma_start3A_88 : memref<1x128xi32, #tpu.memory_space<hbm>> -> memref<128xi32, #tpu.memory_space<hbm>>
        %dma_start3A_90 = arith.constant 0 : i32
        %dma_start3A_91 = tpu.memref_slice %arg3[%add3A_86, %dma_start3A_90] : memref<5056x128xi32, #tpu.memory_space<hbm>> -> memref<1x128xi32, #tpu.memory_space<hbm>>
        %dma_start3A_92 = tpu.memref_squeeze %dma_start3A_91 : memref<1x128xi32, #tpu.memory_space<hbm>> -> memref<128xi32, #tpu.memory_space<hbm>>
        tpu.enqueue_dma source(%dma_start3A_92 : memref<128xi32, #tpu.memory_space<hbm>>) target(%arg7 : memref<128xi32, #tpu.memory_space<vmem>>) target_semaphore(%arg16 : memref<!tpu.dma_semaphore, #tpu.memory_space<semaphore_mem>>)
        %add3A_93 = arith.addi %mul3A_4, %add3A_48 : i32
        %add3A_94 = arith.constant 2 : i32
        %add3A_95 = arith.addi %add3A_93, %add3A_94 : i32
        %dma_start3A_96 = arith.constant 0 : i32
        %dma_start3A_97 = tpu.memref_slice %arg4[%add3A_95, %dma_start3A_96] : memref<2528x128xi32, #tpu.memory_space<hbm>> -> memref<1x128xi32, #tpu.memory_space<hbm>>
        %dma_start3A_98 = tpu.memref_squeeze %dma_start3A_97 : memref<1x128xi32, #tpu.memory_space<hbm>> -> memref<128xi32, #tpu.memory_space<hbm>>
        %dma_start3A_99 = arith.constant 0 : i32
        %dma_start3A_100 = tpu.memref_slice %arg4[%add3A_95, %dma_start3A_99] : memref<2528x128xi32, #tpu.memory_space<hbm>> -> memref<1x128xi32, #tpu.memory_space<hbm>>
        %dma_start3A_101 = tpu.memref_squeeze %dma_start3A_100 : memref<1x128xi32, #tpu.memory_space<hbm>> -> memref<128xi32, #tpu.memory_space<hbm>>
        tpu.enqueue_dma source(%dma_start3A_101 : memref<128xi32, #tpu.memory_space<hbm>>) target(%arg9 : memref<128xi32, #tpu.memory_space<vmem>>) target_semaphore(%arg16 : memref<!tpu.dma_semaphore, #tpu.memory_space<semaphore_mem>>)
      } else {
      }
      %add3A_63 = arith.constant 1 : i32
      %add3A_64 = arith.addi %mul3A_46, %add3A_63 : i32
      %add3A_65 = arith.constant 2 : i32
      %add3A_66 = arith.addi %add3A_64, %add3A_65 : i32
      %sub3A_67 = arith.constant 1 : i32
      %sub3A_68 = arith.subi %add3A_66, %sub3A_67 : i32
      %lt3A_69 = arith.constant 158 : i32
      %lt3A_70 = arith.cmpi slt, %sub3A_68, %lt3A_69 : i32
      %convert_element_type3A_71 = arith.extui %lt3A_70 : i1 to i32
      %cond3A_72 = arith.constant 0 : i32
      %cond3A_73 = arith.cmpi ne, %convert_element_type3A_71, %cond3A_72 : i32
      scf.if %cond3A_73 {
        %dma_wait3A_84 = arith.constant 0 : i32
        %dma_wait3A_85 = tpu.memref_slice %arg3[%mul3A_2, %dma_wait3A_84] : memref<5056x128xi32, #tpu.memory_space<hbm>> -> memref<1x128xi32, #tpu.memory_space<hbm>>
        %dma_wait3A_86 = tpu.memref_squeeze %dma_wait3A_85 : memref<1x128xi32, #tpu.memory_space<hbm>> -> memref<128xi32, #tpu.memory_space<hbm>>
        %dma_wait3A_87 = arith.constant 0 : i32
        %dma_wait3A_88 = tpu.memref_slice %arg3[%mul3A_2, %dma_wait3A_87] : memref<5056x128xi32, #tpu.memory_space<hbm>> -> memref<1x128xi32, #tpu.memory_space<hbm>>
        %dma_wait3A_89 = tpu.memref_squeeze %dma_wait3A_88 : memref<1x128xi32, #tpu.memory_space<hbm>> -> memref<128xi32, #tpu.memory_space<hbm>>
        tpu.wait_dma2 semaphore(%arg16 : memref<!tpu.dma_semaphore, #tpu.memory_space<semaphore_mem>>) src(%dma_wait3A_89 : memref<128xi32, #tpu.memory_space<hbm>>) dst(%arg7 : memref<128xi32, #tpu.memory_space<vmem>>)
        %dma_wait3A_90 = arith.constant 0 : i32
        %dma_wait3A_91 = tpu.memref_slice %arg4[%mul3A_4, %dma_wait3A_90] : memref<2528x128xi32, #tpu.memory_space<hbm>> -> memref<1x128xi32, #tpu.memory_space<hbm>>
        %dma_wait3A_92 = tpu.memref_squeeze %dma_wait3A_91 : memref<1x128xi32, #tpu.memory_space<hbm>> -> memref<128xi32, #tpu.memory_space<hbm>>
        %dma_wait3A_93 = arith.constant 0 : i32
        %dma_wait3A_94 = tpu.memref_slice %arg4[%mul3A_4, %dma_wait3A_93] : memref<2528x128xi32, #tpu.memory_space<hbm>> -> memref<1x128xi32, #tpu.memory_space<hbm>>
        %dma_wait3A_95 = tpu.memref_squeeze %dma_wait3A_94 : memref<1x128xi32, #tpu.memory_space<hbm>> -> memref<128xi32, #tpu.memory_space<hbm>>
        tpu.wait_dma2 semaphore(%arg16 : memref<!tpu.dma_semaphore, #tpu.memory_space<semaphore_mem>>) src(%dma_wait3A_95 : memref<128xi32, #tpu.memory_space<hbm>>) dst(%arg9 : memref<128xi32, #tpu.memory_space<vmem>>)
        %dma_start3A_96 = arith.constant 0 : i32
        %dma_start3A_97 = arith.constant 0 : i32
        %dma_start3A_98 = tpu.memref_slice %arg2[%dma_start3A_96, %dma_start3A_97] : memref<20000x128xf32, #tpu.memory_space<hbm>> -> memref<20000x128xf32, #tpu.memory_space<hbm>>
        tpu.enqueue_indirect_dma source(%dma_start3A_98 : memref<20000x128xf32, #tpu.memory_space<hbm>>) target(%arg11 : memref<128x128xf32, #tpu.memory_space<vmem>>) offsets(%arg7 : memref<128xi32, #tpu.memory_space<vmem>>) semaphore(%arg14 : memref<!tpu.dma_semaphore, #tpu.memory_space<semaphore_mem>>)
      } else {
      }
      %dma_wait3A_74 = arith.constant 0 : i32
      %dma_wait3A_75 = arith.constant 0 : i32
      %dma_wait3A_76 = tpu.memref_slice %arg2[%dma_wait3A_74, %dma_wait3A_75] : memref<20000x128xf32, #tpu.memory_space<hbm>> -> memref<20000x128xf32, #tpu.memory_space<hbm>>
      tpu.wait_indirect_dma semaphore(%arg15 : memref<!tpu.dma_semaphore, #tpu.memory_space<semaphore_mem>>) src(%dma_wait3A_76 : memref<20000x128xf32, #tpu.memory_space<hbm>>) dst(%arg12 : memref<128x128xf32, #tpu.memory_space<vmem>>)
      "tpu.region"() ({
        %run_scoped3A = tpu.sem_alloc : memref<!tpu.dma_semaphore, #tpu.memory_space<semaphore_mem>>
        %dma_start3A_84 = arith.constant 0 : i32
        %dma_start3A_85 = arith.constant 0 : i32
        %dma_start3A_86 = tpu.memref_slice %arg13[%dma_start3A_84, %dma_start3A_85] : memref<10240x128xf32, #tpu.memory_space<vmem_shared>> -> memref<10240x128xf32, #tpu.memory_space<vmem_shared>>
        tpu.enqueue_indirect_dma source(%arg12 : memref<128x128xf32, #tpu.memory_space<vmem>>) target(%dma_start3A_86 : memref<10240x128xf32, #tpu.memory_space<vmem_shared>>) offsets(%arg10 : memref<128xi32, #tpu.memory_space<vmem>>) semaphore(%run_scoped3A : memref<!tpu.dma_semaphore, #tpu.memory_space<semaphore_mem>>) {add = true}
        %dma_wait3A_87 = arith.constant 0 : i32
        %dma_wait3A_88 = arith.constant 0 : i32
        %dma_wait3A_89 = tpu.memref_slice %arg13[%dma_wait3A_87, %dma_wait3A_88] : memref<10240x128xf32, #tpu.memory_space<vmem_shared>> -> memref<10240x128xf32, #tpu.memory_space<vmem_shared>>
        tpu.wait_indirect_dma semaphore(%run_scoped3A : memref<!tpu.dma_semaphore, #tpu.memory_space<semaphore_mem>>) src(%arg12 : memref<128x128xf32, #tpu.memory_space<vmem>>) dst(%dma_wait3A_89 : memref<10240x128xf32, #tpu.memory_space<vmem_shared>>)
        tpu.yield
      }) : () -> ()
      %add3A_77 = arith.constant 2 : i32
      %add3A_78 = arith.addi %add3A_64, %add3A_77 : i32
      %lt3A_79 = arith.constant 158 : i32
      %lt3A_80 = arith.cmpi slt, %add3A_78, %lt3A_79 : i32
      %convert_element_type3A_81 = arith.extui %lt3A_80 : i1 to i32
      %cond3A_82 = arith.constant 0 : i32
      %cond3A_83 = arith.cmpi ne, %convert_element_type3A_81, %cond3A_82 : i32
      scf.if %cond3A_83 {
        %add3A_84 = arith.addi %mul3A_2, %add3A_64 : i32
        %add3A_85 = arith.constant 2 : i32
        %add3A_86 = arith.addi %add3A_84, %add3A_85 : i32
        %dma_start3A_87 = arith.constant 0 : i32
        %dma_start3A_88 = tpu.memref_slice %arg3[%add3A_86, %dma_start3A_87] : memref<5056x128xi32, #tpu.memory_space<hbm>> -> memref<1x128xi32, #tpu.memory_space<hbm>>
        %dma_start3A_89 = tpu.memref_squeeze %dma_start3A_88 : memref<1x128xi32, #tpu.memory_space<hbm>> -> memref<128xi32, #tpu.memory_space<hbm>>
        %dma_start3A_90 = arith.constant 0 : i32
        %dma_start3A_91 = tpu.memref_slice %arg3[%add3A_86, %dma_start3A_90] : memref<5056x128xi32, #tpu.memory_space<hbm>> -> memref<1x128xi32, #tpu.memory_space<hbm>>
        %dma_start3A_92 = tpu.memref_squeeze %dma_start3A_91 : memref<1x128xi32, #tpu.memory_space<hbm>> -> memref<128xi32, #tpu.memory_space<hbm>>
        tpu.enqueue_dma source(%dma_start3A_92 : memref<128xi32, #tpu.memory_space<hbm>>) target(%arg8 : memref<128xi32, #tpu.memory_space<vmem>>) target_semaphore(%arg17 : memref<!tpu.dma_semaphore, #tpu.memory_space<semaphore_mem>>)
        %add3A_93 = arith.addi %mul3A_4, %add3A_64 : i32
        %add3A_94 = arith.constant 2 : i32
        %add3A_95 = arith.addi %add3A_93, %add3A_94 : i32
        %dma_start3A_96 = arith.constant 0 : i32
        %dma_start3A_97 = tpu.memref_slice %arg4[%add3A_95, %dma_start3A_96] : memref<2528x128xi32, #tpu.memory_space<hbm>> -> memref<1x128xi32, #tpu.memory_space<hbm>>
        %dma_start3A_98 = tpu.memref_squeeze %dma_start3A_97 : memref<1x128xi32, #tpu.memory_space<hbm>> -> memref<128xi32, #tpu.memory_space<hbm>>
        %dma_start3A_99 = arith.constant 0 : i32
        %dma_start3A_100 = tpu.memref_slice %arg4[%add3A_95, %dma_start3A_99] : memref<2528x128xi32, #tpu.memory_space<hbm>> -> memref<1x128xi32, #tpu.memory_space<hbm>>
        %dma_start3A_101 = tpu.memref_squeeze %dma_start3A_100 : memref<1x128xi32, #tpu.memory_space<hbm>> -> memref<128xi32, #tpu.memory_space<hbm>>
        tpu.enqueue_dma source(%dma_start3A_101 : memref<128xi32, #tpu.memory_space<hbm>>) target(%arg10 : memref<128xi32, #tpu.memory_space<vmem>>) target_semaphore(%arg17 : memref<!tpu.dma_semaphore, #tpu.memory_space<semaphore_mem>>)
      } else {
      }
    }
    %scan3A_35 = arith.constant 79 : i32
    %barrier3A_36 = arith.constant 0 : index
    tpu.barrier barrier_id(%barrier3A_36)
    %mul3A_37 = arith.constant 640 : i32
    %mul3A_38 = arith.muli %arg1, %mul3A_37 : i32
    %mul3A_39 = arith.constant 10240 : i32
    %mul3A_40 = arith.muli %arg0, %mul3A_39 : i32
    %mul3A_41 = arith.constant 640 : i32
    %mul3A_42 = arith.muli %arg1, %mul3A_41 : i32
    %add3A_43 = arith.addi %mul3A_40, %mul3A_42 : i32
    "tpu.region"() ({
      %run_scoped3A = tpu.sem_alloc : memref<!tpu.dma_semaphore, #tpu.memory_space<semaphore_mem>>
      %dma_start3A_44 = arith.constant 0 : i32
      %dma_start3A_45 = tpu.memref_slice %arg6[%add3A_43, %dma_start3A_44] : memref<20480x128xf32, #tpu.memory_space<hbm>> -> memref<640x128xf32, #tpu.memory_space<hbm>>
      %dma_start3A_46 = arith.constant 0 : i32
      %dma_start3A_47 = tpu.memref_slice %arg13[%mul3A_38, %dma_start3A_46] : memref<10240x128xf32, #tpu.memory_space<vmem_shared>> -> memref<640x128xf32, #tpu.memory_space<vmem_shared>>
      tpu.enqueue_dma source(%dma_start3A_47 : memref<640x128xf32, #tpu.memory_space<vmem_shared>>) target(%dma_start3A_45 : memref<640x128xf32, #tpu.memory_space<hbm>>) target_semaphore(%run_scoped3A : memref<!tpu.dma_semaphore, #tpu.memory_space<semaphore_mem>>)
      %dma_wait3A = arith.constant 0 : i32
      %dma_wait3A_48 = tpu.memref_slice %arg6[%add3A_43, %dma_wait3A] : memref<20480x128xf32, #tpu.memory_space<hbm>> -> memref<640x128xf32, #tpu.memory_space<hbm>>
      %dma_wait3A_49 = arith.constant 0 : i32
      %dma_wait3A_50 = tpu.memref_slice %arg13[%mul3A_38, %dma_wait3A_49] : memref<10240x128xf32, #tpu.memory_space<vmem_shared>> -> memref<640x128xf32, #tpu.memory_space<vmem_shared>>
      tpu.wait_dma2 semaphore(%run_scoped3A : memref<!tpu.dma_semaphore, #tpu.memory_space<semaphore_mem>>) src(%dma_wait3A_50 : memref<640x128xf32, #tpu.memory_space<vmem_shared>>) dst(%dma_wait3A_48 : memref<640x128xf32, #tpu.memory_space<hbm>>)
      tpu.yield
    }) : () -> ()
    return
  }
}

module attributes {stable_mosaic.version = 14 : i64} {
  func.func @_tc1_body(%arg0: i32, %arg1: memref<80x128xf32, #tpu.memory_space<vmem>>, %arg2: memref<128x128xf32, #tpu.memory_space<vmem>>, %arg3: memref<80x1xf32, #tpu.memory_space<vmem>>, %arg4: memref<80x128xf32, #tpu.memory_space<vmem>>) attributes {dimension_semantics = [#tpu.dimension_semantics<arbitrary>], iteration_bounds = array<i64: 250>, scalar_prefetch = 0 : i64, scratch_operands = 0 : i64, tpu.core_type = #tpu.core_type<tc>, window_params = [{transform_indices = @transform_0, window_bounds = array<i64: 80, 128>}, {pipeline_mode = #tpu.pipeline_mode<synchronous>, transform_indices = @transform_1, window_bounds = array<i64: 128, 128>}, {transform_indices = @transform_2, window_bounds = array<i64: 80, 1>}, {transform_indices = @transform_3, window_bounds = array<i64: 80, 128>}]} {
    %get3A = arith.constant 0 : index
    %get3A_0 = arith.constant 0 : index
    %get3A_1 = vector.load %arg1[%get3A, %get3A_0] : memref<80x128xf32, #tpu.memory_space<vmem>>, vector<80x128xf32>
    %get3A_2 = arith.constant 0 : index
    %get3A_3 = arith.constant 0 : index
    %get3A_4 = vector.load %arg2[%get3A_2, %get3A_3] : memref<128x128xf32, #tpu.memory_space<vmem>>, vector<128x128xf32>
    %dot_general3A = arith.constant dense<0.000000e+00> : vector<80x128xf32>
    %dot_general3A_5 = tpu.matmul %get3A_1, %get3A_4, %dot_general3A {dimension_numbers = #tpu.dot_dimension_numbers<[1], [0], [0], [1], [0, 0, 1, 1], [], []>, transpose_lhs_hint = false} : vector<80x128xf32>, vector<128x128xf32>, vector<80x128xf32> -> vector<80x128xf32>
    %get3A_6 = arith.constant 0 : index
    %get3A_7 = arith.constant 0 : index
    %get3A_8 = vector.load %arg3[%get3A_6, %get3A_7] : memref<80x1xf32, #tpu.memory_space<vmem>>, vector<80x1xf32>
    %add3A = arith.constant 1.000000e+00 : f32
    %add3A_9 = vector.broadcast %add3A : f32 to vector<80x1xf32>
    %add3A_10 = arith.addf %get3A_8, %add3A_9 : vector<80x1xf32>
    %rsqrt3A = math.rsqrt %add3A_10 : vector<80x1xf32>
    %mul3A = vector.broadcast %rsqrt3A : vector<80x1xf32> to vector<80x128xf32>
    %mul3A_11 = arith.mulf %dot_general3A_5, %mul3A : vector<80x128xf32>
    %swap3A = arith.constant 0 : index
    %swap3A_12 = arith.constant 0 : index
    %swap3A_13 = vector.load %arg4[%swap3A, %swap3A_12] : memref<80x128xf32, #tpu.memory_space<vmem>>, vector<80x128xf32>
    tpu.vector_store %arg4[%swap3A, %swap3A_12], %mul3A_11 {strides = array<i32>} : memref<80x128xf32, #tpu.memory_space<vmem>>, vector<80x128xf32>,
    return
  }
  func.func @transform_0(%arg0: i32) -> (i32, i32) {
    %c0_i32 = arith.constant 0 : i32
    %c0_i32_0 = arith.constant 0 : i32
    return %arg0, %c0_i32 : i32, i32
  }
  func.func @transform_1(%arg0: i32) -> (i32, i32) {
    %c0_i32 = arith.constant 0 : i32
    %c0_i32_0 = arith.constant 0 : i32
    %c0_i32_1 = arith.constant 0 : i32
    return %c0_i32, %c0_i32_0 : i32, i32
  }
  func.func @transform_2(%arg0: i32) -> (i32, i32) {
    %c0_i32 = arith.constant 0 : i32
    %c0_i32_0 = arith.constant 0 : i32
    return %arg0, %c0_i32 : i32, i32
  }
  func.func @transform_3(%arg0: i32) -> (i32, i32) {
    %c0_i32 = arith.constant 0 : i32
    %c0_i32_0 = arith.constant 0 : i32
    return %arg0, %c0_i32 : i32, i32
  }
}

module attributes {stable_mosaic.version = 14 : i64} {
  func.func @_tc2_body(%arg0: i32, %arg1: memref<80x128xf32, #tpu.memory_space<vmem>>, %arg2: memref<80x128xf32, #tpu.memory_space<vmem>>, %arg3: memref<128x128xf32, #tpu.memory_space<vmem>>, %arg4: memref<1x128xf32, #tpu.memory_space<vmem>>, %arg5: memref<80x1xf32, #tpu.memory_space<vmem>>, %arg6: memref<80x128xf32, #tpu.memory_space<vmem>>) attributes {dimension_semantics = [#tpu.dimension_semantics<arbitrary>], iteration_bounds = array<i64: 250>, scalar_prefetch = 0 : i64, scratch_operands = 0 : i64, tpu.core_type = #tpu.core_type<tc>, window_params = [{transform_indices = @transform_0, window_bounds = array<i64: 80, 128>}, {transform_indices = @transform_1, window_bounds = array<i64: 80, 128>}, {pipeline_mode = #tpu.pipeline_mode<synchronous>, transform_indices = @transform_2, window_bounds = array<i64: 128, 128>}, {pipeline_mode = #tpu.pipeline_mode<synchronous>, transform_indices = @transform_3, window_bounds = array<i64: 1, 128>}, {transform_indices = @transform_4, window_bounds = array<i64: 80, 1>}, {transform_indices = @transform_5, window_bounds = array<i64: 80, 128>}]} {
    %get3A = arith.constant 0 : index
    %get3A_0 = arith.constant 0 : index
    %get3A_1 = vector.load %arg5[%get3A, %get3A_0] : memref<80x1xf32, #tpu.memory_space<vmem>>, vector<80x1xf32>
    %add3A = arith.constant 1.000000e+00 : f32
    %add3A_2 = vector.broadcast %add3A : f32 to vector<80x1xf32>
    %add3A_3 = arith.addf %get3A_1, %add3A_2 : vector<80x1xf32>
    %rsqrt3A = math.rsqrt %add3A_3 : vector<80x1xf32>
    %get3A_4 = arith.constant 0 : index
    %get3A_5 = arith.constant 0 : index
    %get3A_6 = vector.load %arg1[%get3A_4, %get3A_5] : memref<80x128xf32, #tpu.memory_space<vmem>>, vector<80x128xf32>
    %get3A_7 = arith.constant 0 : index
    %get3A_8 = arith.constant 0 : index
    %get3A_9 = vector.load %arg2[%get3A_7, %get3A_8] : memref<80x128xf32, #tpu.memory_space<vmem>>, vector<80x128xf32>
    %add3A_10 = arith.addf %get3A_6, %get3A_9 : vector<80x128xf32>
    %mul3A = vector.broadcast %rsqrt3A : vector<80x1xf32> to vector<80x128xf32>
    %mul3A_11 = arith.mulf %mul3A, %add3A_10 : vector<80x128xf32>
    %get3A_12 = arith.constant 0 : index
    %get3A_13 = arith.constant 0 : index
    %get3A_14 = vector.load %arg4[%get3A_12, %get3A_13] : memref<1x128xf32, #tpu.memory_space<vmem>>, vector<1x128xf32>
    %add3A_15 = vector.broadcast %get3A_14 : vector<1x128xf32> to vector<80x128xf32>
    %add3A_16 = arith.addf %mul3A_11, %add3A_15 : vector<80x128xf32>
    %max3A = arith.constant 0.000000e+00 : f32
    %max3A_17 = vector.broadcast %max3A : f32 to vector<80x128xf32>
    %max3A_18 = arith.maximumf %add3A_16, %max3A_17 : vector<80x128xf32>
    %get3A_19 = arith.constant 0 : index
    %get3A_20 = arith.constant 0 : index
    %get3A_21 = vector.load %arg3[%get3A_19, %get3A_20] : memref<128x128xf32, #tpu.memory_space<vmem>>, vector<128x128xf32>
    %dot_general3A = arith.constant dense<0.000000e+00> : vector<80x128xf32>
    %dot_general3A_22 = tpu.matmul %max3A_18, %get3A_21, %dot_general3A {dimension_numbers = #tpu.dot_dimension_numbers<[1], [0], [0], [1], [0, 0, 1, 1], [], []>, transpose_lhs_hint = false} : vector<80x128xf32>, vector<128x128xf32>, vector<80x128xf32> -> vector<80x128xf32>
    %mul3A_23 = vector.broadcast %rsqrt3A : vector<80x1xf32> to vector<80x128xf32>
    %mul3A_24 = arith.mulf %dot_general3A_22, %mul3A_23 : vector<80x128xf32>
    %swap3A = arith.constant 0 : index
    %swap3A_25 = arith.constant 0 : index
    %swap3A_26 = vector.load %arg6[%swap3A, %swap3A_25] : memref<80x128xf32, #tpu.memory_space<vmem>>, vector<80x128xf32>
    tpu.vector_store %arg6[%swap3A, %swap3A_25], %mul3A_24 {strides = array<i32>} : memref<80x128xf32, #tpu.memory_space<vmem>>, vector<80x128xf32>,
    return
  }
  func.func @transform_0(%arg0: i32) -> (i32, i32) {
    %jit3A = arith.constant 125 : i32
    %div3A = arith.divsi %arg0, %jit3A : i32
    %sign3A = arith.constant 0 : i32
    %sign3A_0 = arith.cmpi sgt, %arg0, %sign3A : i32
    %sign3A_1 = arith.extui %sign3A_0 : i1 to i32
    %sign3A_2 = arith.constant 0 : i32
    %sign3A_3 = arith.cmpi slt, %arg0, %sign3A_2 : i32
    %sign3A_4 = arith.extui %sign3A_3 : i1 to i32
    %sign3A_5 = arith.subi %sign3A_1, %sign3A_4 : i32
    %sign3A_6 = arith.constant 0 : i32
    %sign3A_7 = arith.cmpi sgt, %jit3A, %sign3A_6 : i32
    %sign3A_8 = arith.extui %sign3A_7 : i1 to i32
    %sign3A_9 = arith.constant 0 : i32
    %sign3A_10 = arith.cmpi slt, %jit3A, %sign3A_9 : i32
    %sign3A_11 = arith.extui %sign3A_10 : i1 to i32
    %sign3A_12 = arith.subi %sign3A_8, %sign3A_11 : i32
    %ne3A = arith.cmpi ne, %sign3A_5, %sign3A_12 : i32
    %rem3A = arith.remsi %arg0, %jit3A : i32
    %ne3A_13 = arith.constant 0 : i32
    %ne3A_14 = arith.cmpi ne, %rem3A, %ne3A_13 : i32
    %and3A = arith.andi %ne3A, %ne3A_14 : i1
    %sub3A = arith.constant 1 : i32
    %sub3A_15 = arith.subi %div3A, %sub3A : i32
    %select_n3A = arith.select %and3A, %sub3A_15, %div3A : i32
    %mul3A = arith.constant 128 : i32
    %mul3A_16 = arith.muli %select_n3A, %mul3A : i32
    %jit3A_17 = arith.constant 125 : i32
    %eq3A = arith.constant 0 : i32
    %eq3A_18 = arith.cmpi eq, %jit3A_17, %eq3A : i32
    %jit3A_19 = arith.constant 1 : i32
    %select_n3A_20 = arith.select %eq3A_18, %jit3A_19, %jit3A_17 : i32
    %rem3A_21 = arith.remsi %arg0, %select_n3A_20 : i32
    %ne3A_22 = arith.constant 0 : i32
    %ne3A_23 = arith.cmpi ne, %rem3A_21, %ne3A_22 : i32
    %lt3A = arith.constant 0 : i32
    %lt3A_24 = arith.cmpi slt, %rem3A_21, %lt3A : i32
    %lt3A_25 = arith.constant 0 : i32
    %lt3A_26 = arith.cmpi slt, %select_n3A_20, %lt3A_25 : i32
    %ne3A_27 = arith.xori %lt3A_24, %lt3A_26 : i1
    %and3A_28 = arith.andi %ne3A_27, %ne3A_23 : i1
    %add3A = arith.addi %rem3A_21, %select_n3A_20 : i32
    %select_n3A_29 = arith.select %and3A_28, %add3A, %rem3A_21 : i32
    %add3A_30 = arith.addi %mul3A_16, %select_n3A_29 : i32
    %c0_i32 = arith.constant 0 : i32
    %c0_i32_31 = arith.constant 0 : i32
    return %add3A_30, %c0_i32 : i32, i32
  }
  func.func @transform_1(%arg0: i32) -> (i32, i32) {
    %c0_i32 = arith.constant 0 : i32
    %c0_i32_0 = arith.constant 0 : i32
    return %arg0, %c0_i32 : i32, i32
  }
  func.func @transform_2(%arg0: i32) -> (i32, i32) {
    %c0_i32 = arith.constant 0 : i32
    %c0_i32_0 = arith.constant 0 : i32
    %c0_i32_1 = arith.constant 0 : i32
    return %c0_i32, %c0_i32_0 : i32, i32
  }
  func.func @transform_3(%arg0: i32) -> (i32, i32) {
    %c0_i32 = arith.constant 0 : i32
    %c0_i32_0 = arith.constant 0 : i32
    %c0_i32_1 = arith.constant 0 : i32
    return %c0_i32, %c0_i32_0 : i32, i32
  }
  func.func @transform_4(%arg0: i32) -> (i32, i32) {
    %c0_i32 = arith.constant 0 : i32
    %c0_i32_0 = arith.constant 0 : i32
    return %arg0, %c0_i32 : i32, i32
  }
  func.func @transform_5(%arg0: i32) -> (i32, i32) {
    %c0_i32 = arith.constant 0 : i32
    %c0_i32_0 = arith.constant 0 : i32
    return %arg0, %c0_i32 : i32, i32
  }
}

module attributes {stable_mosaic.version = 14 : i64} {
  func.func @_tc3_body(%arg0: i32, %arg1: memref<80x128xf32, #tpu.memory_space<vmem>>, %arg2: memref<80x128xf32, #tpu.memory_space<vmem>>, %arg3: memref<1x128xf32, #tpu.memory_space<vmem>>, %arg4: memref<1x128xf32, #tpu.memory_space<vmem>>, %arg5: memref<1x128xf32, #tpu.memory_space<vmem>>, %arg6: memref<80x1xf32, #tpu.memory_space<vmem>>, %arg7: memref<80x128xf32, #tpu.memory_space<vmem>>) attributes {dimension_semantics = [#tpu.dimension_semantics<arbitrary>], iteration_bounds = array<i64: 250>, scalar_prefetch = 0 : i64, scratch_operands = 0 : i64, tpu.core_type = #tpu.core_type<tc>, window_params = [{transform_indices = @transform_0, window_bounds = array<i64: 80, 128>}, {transform_indices = @transform_1, window_bounds = array<i64: 80, 128>}, {pipeline_mode = #tpu.pipeline_mode<synchronous>, transform_indices = @transform_2, window_bounds = array<i64: 1, 128>}, {pipeline_mode = #tpu.pipeline_mode<synchronous>, transform_indices = @transform_3, window_bounds = array<i64: 1, 128>}, {pipeline_mode = #tpu.pipeline_mode<synchronous>, transform_indices = @transform_4, window_bounds = array<i64: 1, 128>}, {transform_indices = @transform_5, window_bounds = array<i64: 80, 1>}, {transform_indices = @transform_6, window_bounds = array<i64: 80, 128>}]} {
    %get3A = arith.constant 0 : index
    %get3A_0 = arith.constant 0 : index
    %get3A_1 = vector.load %arg6[%get3A, %get3A_0] : memref<80x1xf32, #tpu.memory_space<vmem>>, vector<80x1xf32>
    %add3A = arith.constant 1.000000e+00 : f32
    %add3A_2 = vector.broadcast %add3A : f32 to vector<80x1xf32>
    %add3A_3 = arith.addf %get3A_1, %add3A_2 : vector<80x1xf32>
    %rsqrt3A = math.rsqrt %add3A_3 : vector<80x1xf32>
    %get3A_4 = arith.constant 0 : index
    %get3A_5 = arith.constant 0 : index
    %get3A_6 = vector.load %arg1[%get3A_4, %get3A_5] : memref<80x128xf32, #tpu.memory_space<vmem>>, vector<80x128xf32>
    %get3A_7 = arith.constant 0 : index
    %get3A_8 = arith.constant 0 : index
    %get3A_9 = vector.load %arg2[%get3A_7, %get3A_8] : memref<80x128xf32, #tpu.memory_space<vmem>>, vector<80x128xf32>
    %add3A_10 = arith.addf %get3A_6, %get3A_9 : vector<80x128xf32>
    %mul3A = vector.broadcast %rsqrt3A : vector<80x1xf32> to vector<80x128xf32>
    %mul3A_11 = arith.mulf %mul3A, %add3A_10 : vector<80x128xf32>
    %get3A_12 = arith.constant 0 : index
    %get3A_13 = arith.constant 0 : index
    %get3A_14 = vector.load %arg3[%get3A_12, %get3A_13] : memref<1x128xf32, #tpu.memory_space<vmem>>, vector<1x128xf32>
    %add3A_15 = vector.broadcast %get3A_14 : vector<1x128xf32> to vector<80x128xf32>
    %add3A_16 = arith.addf %mul3A_11, %add3A_15 : vector<80x128xf32>
    %reduce_sum3A = arith.constant dense<0.000000e+00> : vector<80xf32>
    %reduce_sum3A_17 = vector.multi_reduction <add>, %add3A_16, %reduce_sum3A [1] : vector<80x128xf32> to vector<80xf32>
    %broadcast_in_dim3A = vector.shape_cast %reduce_sum3A_17 : vector<80xf32> to vector<80x1xf32>
    %div3A = arith.constant 1.280000e+02 : f32
    %div3A_18 = vector.broadcast %div3A : f32 to vector<80x1xf32>
    %div3A_19 = arith.divf %broadcast_in_dim3A, %div3A_18 : vector<80x1xf32>
    %sub3A = vector.broadcast %div3A_19 : vector<80x1xf32> to vector<80x128xf32>
    %sub3A_20 = arith.subf %add3A_16, %sub3A : vector<80x128xf32>
    %mul3A_21 = arith.mulf %sub3A_20, %sub3A_20 : vector<80x128xf32>
    %reduce_sum3A_22 = arith.constant dense<0.000000e+00> : vector<80xf32>
    %reduce_sum3A_23 = vector.multi_reduction <add>, %mul3A_21, %reduce_sum3A_22 [1] : vector<80x128xf32> to vector<80xf32>
    %broadcast_in_dim3A_24 = vector.shape_cast %reduce_sum3A_23 : vector<80xf32> to vector<80x1xf32>
    %div3A_25 = arith.constant 1.280000e+02 : f32
    %div3A_26 = vector.broadcast %div3A_25 : f32 to vector<80x1xf32>
    %div3A_27 = arith.divf %broadcast_in_dim3A_24, %div3A_26 : vector<80x1xf32>
    %add3A_28 = arith.constant 9.99999974E-6 : f32
    %add3A_29 = vector.broadcast %add3A_28 : f32 to vector<80x1xf32>
    %add3A_30 = arith.addf %div3A_27, %add3A_29 : vector<80x1xf32>
    %rsqrt3A_31 = math.rsqrt %add3A_30 : vector<80x1xf32>
    %mul3A_32 = vector.broadcast %rsqrt3A_31 : vector<80x1xf32> to vector<80x128xf32>
    %mul3A_33 = arith.mulf %sub3A_20, %mul3A_32 : vector<80x128xf32>
    %get3A_34 = arith.constant 0 : index
    %get3A_35 = arith.constant 0 : index
    %get3A_36 = vector.load %arg4[%get3A_34, %get3A_35] : memref<1x128xf32, #tpu.memory_space<vmem>>, vector<1x128xf32>
    %mul3A_37 = vector.broadcast %get3A_36 : vector<1x128xf32> to vector<80x128xf32>
    %mul3A_38 = arith.mulf %mul3A_33, %mul3A_37 : vector<80x128xf32>
    %get3A_39 = arith.constant 0 : index
    %get3A_40 = arith.constant 0 : index
    %get3A_41 = vector.load %arg5[%get3A_39, %get3A_40] : memref<1x128xf32, #tpu.memory_space<vmem>>, vector<1x128xf32>
    %add3A_42 = vector.broadcast %get3A_41 : vector<1x128xf32> to vector<80x128xf32>
    %add3A_43 = arith.addf %mul3A_38, %add3A_42 : vector<80x128xf32>
    %swap3A = arith.constant 0 : index
    %swap3A_44 = arith.constant 0 : index
    %swap3A_45 = vector.load %arg7[%swap3A, %swap3A_44] : memref<80x128xf32, #tpu.memory_space<vmem>>, vector<80x128xf32>
    tpu.vector_store %arg7[%swap3A, %swap3A_44], %add3A_43 {strides = array<i32>} : memref<80x128xf32, #tpu.memory_space<vmem>>, vector<80x128xf32>,
    return
  }
  func.func @transform_0(%arg0: i32) -> (i32, i32) {
    %jit3A = arith.constant 125 : i32
    %div3A = arith.divsi %arg0, %jit3A : i32
    %sign3A = arith.constant 0 : i32
    %sign3A_0 = arith.cmpi sgt, %arg0, %sign3A : i32
    %sign3A_1 = arith.extui %sign3A_0 : i1 to i32
    %sign3A_2 = arith.constant 0 : i32
    %sign3A_3 = arith.cmpi slt, %arg0, %sign3A_2 : i32
    %sign3A_4 = arith.extui %sign3A_3 : i1 to i32
    %sign3A_5 = arith.subi %sign3A_1, %sign3A_4 : i32
    %sign3A_6 = arith.constant 0 : i32
    %sign3A_7 = arith.cmpi sgt, %jit3A, %sign3A_6 : i32
    %sign3A_8 = arith.extui %sign3A_7 : i1 to i32
    %sign3A_9 = arith.constant 0 : i32
    %sign3A_10 = arith.cmpi slt, %jit3A, %sign3A_9 : i32
    %sign3A_11 = arith.extui %sign3A_10 : i1 to i32
    %sign3A_12 = arith.subi %sign3A_8, %sign3A_11 : i32
    %ne3A = arith.cmpi ne, %sign3A_5, %sign3A_12 : i32
    %rem3A = arith.remsi %arg0, %jit3A : i32
    %ne3A_13 = arith.constant 0 : i32
    %ne3A_14 = arith.cmpi ne, %rem3A, %ne3A_13 : i32
    %and3A = arith.andi %ne3A, %ne3A_14 : i1
    %sub3A = arith.constant 1 : i32
    %sub3A_15 = arith.subi %div3A, %sub3A : i32
    %select_n3A = arith.select %and3A, %sub3A_15, %div3A : i32
    %mul3A = arith.constant 128 : i32
    %mul3A_16 = arith.muli %select_n3A, %mul3A : i32
    %jit3A_17 = arith.constant 125 : i32
    %eq3A = arith.constant 0 : i32
    %eq3A_18 = arith.cmpi eq, %jit3A_17, %eq3A : i32
    %jit3A_19 = arith.constant 1 : i32
    %select_n3A_20 = arith.select %eq3A_18, %jit3A_19, %jit3A_17 : i32
    %rem3A_21 = arith.remsi %arg0, %select_n3A_20 : i32
    %ne3A_22 = arith.constant 0 : i32
    %ne3A_23 = arith.cmpi ne, %rem3A_21, %ne3A_22 : i32
    %lt3A = arith.constant 0 : i32
    %lt3A_24 = arith.cmpi slt, %rem3A_21, %lt3A : i32
    %lt3A_25 = arith.constant 0 : i32
    %lt3A_26 = arith.cmpi slt, %select_n3A_20, %lt3A_25 : i32
    %ne3A_27 = arith.xori %lt3A_24, %lt3A_26 : i1
    %and3A_28 = arith.andi %ne3A_27, %ne3A_23 : i1
    %add3A = arith.addi %rem3A_21, %select_n3A_20 : i32
    %select_n3A_29 = arith.select %and3A_28, %add3A, %rem3A_21 : i32
    %add3A_30 = arith.addi %mul3A_16, %select_n3A_29 : i32
    %c0_i32 = arith.constant 0 : i32
    %c0_i32_31 = arith.constant 0 : i32
    return %add3A_30, %c0_i32 : i32, i32
  }
  func.func @transform_1(%arg0: i32) -> (i32, i32) {
    %c0_i32 = arith.constant 0 : i32
    %c0_i32_0 = arith.constant 0 : i32
    return %arg0, %c0_i32 : i32, i32
  }
  func.func @transform_2(%arg0: i32) -> (i32, i32) {
    %c0_i32 = arith.constant 0 : i32
    %c0_i32_0 = arith.constant 0 : i32
    %c0_i32_1 = arith.constant 0 : i32
    return %c0_i32, %c0_i32_0 : i32, i32
  }
  func.func @transform_3(%arg0: i32) -> (i32, i32) {
    %c0_i32 = arith.constant 0 : i32
    %c0_i32_0 = arith.constant 0 : i32
    %c0_i32_1 = arith.constant 0 : i32
    return %c0_i32, %c0_i32_0 : i32, i32
  }
  func.func @transform_4(%arg0: i32) -> (i32, i32) {
    %c0_i32 = arith.constant 0 : i32
    %c0_i32_0 = arith.constant 0 : i32
    %c0_i32_1 = arith.constant 0 : i32
    return %c0_i32, %c0_i32_0 : i32, i32
  }
  func.func @transform_5(%arg0: i32) -> (i32, i32) {
    %c0_i32 = arith.constant 0 : i32
    %c0_i32_0 = arith.constant 0 : i32
    return %arg0, %c0_i32 : i32, i32
  }
  func.func @transform_6(%arg0: i32) -> (i32, i32) {
    %c0_i32 = arith.constant 0 : i32
    %c0_i32_0 = arith.constant 0 : i32
    return %arg0, %c0_i32 : i32, i32
  }
}

</mosaic_0001>

<sc_bundles>
// kernel: kernel.11.cloned.1.call-start
scs
__scs_entry_jumppad:
0x0: {  	(pc) =	sbr.rel $0x88, $3  }
0x1: {  	(tag) =	ssettag $0x0;
	lr =	simm.s32 $0x1  }
0x2: {  	[smem:$0x3F99] =	sst lr;
	_ =	strace $0xD0000000  }
0x3: {  	_ = 	snop  }
0x4: {  	_ = 	snop  }
0x5: {  	_ = 	snop  }
0x6: {  	_ = 	snop  }
0x7: {  	_ = 	snop  }
__scs_overlays_trampoline_lowered:
0x8: {  	[smem:$0x3FA8] =	sst s0  }
0x9: {  	[smem:$0x3FA9] =	sst s1  }
0xa: {  	[smem:$0x3FAA] =	sst s2  }
0xb: {  	[smem:$0x3FAB] =	sst s3  }
0xc: {  	[smem:$0x3FAC] =	sst s4  }
0xd: {  	[smem:$0x3FAD] =	sst s5  }
0xe: {  	[smem:$0x3FAE] =	sst s6  }
0xf: {  	[smem:$0x3FAF] =	sst s7  }
0x10: {  	[smem:$0x3FB0] =	sst s8  }
0x11: {  	[smem:$0x3FB1] =	sst s9;
	s0 =	simm.s32 @!p0 $0x0  }
0x12: {  	s1 =	sld [smem:$0x3F97];
	s0 =	simm.s32 @p0 $0x1  }
0x13: {  	[smem:$0x3FB2] =	sst s0;
	s0 =	simm.s32 @!p1 $0x0  }
0x14: {  	s2 =	sld [smem:$0x3F96];
	s0 =	simm.s32 @p1 $0x1  }
0x15: {  	[smem:$0x3FB3] =	sst s0;
	s0 =	simm.s32 @!p2 $0x0  }
0x16: {  	s3 =	sld [smem:$0x3FDB];
	s0 =	simm.s32 @p2 $0x1  }
0x17: {  	s4 =	simm.s32 $0x1BF5;
	[smem:$0x3FB5] =	sst s0  }
0x18: {  	s0 =	sld [smem:$0x3F98];
	_ =	swait.ge [sflag:s4], $0x0  }
0x19: {  	s7 =	sld [smem:$0x3F99]  }
0x1a: {  	s8 =	sadd.s32 $0xFFFFE003, lr  }
0x1b: {  	s9 =	sadd.s32 $0xFFFFFEF7, lr;
	s5 =	simm.s32 $0xFFFFFFFF;
	p2 =	slt.u32 s8, $0xFFFFF086  }
0x1c: {  	p1 =	slt.u32 s9, $0xF7A;
	s5 =	simm.s32 @!p2 $0x0  }
0x1d: {  	s5 =	simm.s32 @p1 $0x1;
	p0 =	seq.s32 s7, s2  }
0x1e: {  	s7 =	smul.u32 @!p0 $0xF7A, s2;
	p2 =	seq.s32 @!p0 s5, $0x0  }
0x1f: {  	s9 =	smul.u32 $0xF7A, s1;
	s8 =	simm.s32 @!p0 $0x1BF5;
	p2 =	por !p2, p0  }
0x20: {  	[sflag:s8] =	ssyncset.s32 @!p0 $0xFFFFF086;
	s6 =	sadd.s32 @!p0 s3, s7;
	s7 =	simm.s32 @!p0 $0x108  }
0x21: {  	s3 =	sadd.s32 s3, s9;
	s6 =	sadd.s32 @!p0 $0x88, s6;
	s7 =	simm.s32 @p2 $0x1082  }
0x22: {  	[simem:s7], [sflag:s8] =	dma.local @!p0 [hbm:s6], $0xF7A  }
0x23: {  	s9 =	sor.u32 $0xD0000000, s2;
	s6 =	simm.s32 $0x108;
	_ =	swait.ge @!p0 [sflag:s8], $0x0  }
0x24: {  	s3 =	sadd.s32 $0x88, s3;
	s6 =	simm.s32 @!p1 $0x1082;
	[sflag:s4] =	ssyncset.s32 $0xFFFFF086  }
0x25: {  	[simem:s6], [sflag:s4] =	dma.local [hbm:s3], $0xF7A  }
0x26: {  	[smem:$0x3F99] =	sst s1;
	(tag) =	ssettag s2;
	_ =	strace s9  }
0x27: {  	s1 =	sld [smem:$0x3FA9]  }
0x28: {  	s2 =	sld [smem:$0x3FAA]  }
0x29: {  	s4 =	sld [smem:$0x3FAC]  }
0x2a: {  	p0 =	seq.s32 s5, $0x0;
	s5 =	sld [smem:$0x3FAD]  }
0x2b: {  	s6 =	sld [smem:$0x3FAE]  }
0x2c: {  	s7 =	sld [smem:$0x3FAF]  }
0x2d: {  	s3 =	simm.s32 $0x108;
	s8 =	sld [smem:$0x3FB0]  }
0x2e: {  	s3 =	simm.s32 @!p0 $0x1082;
	s9 =	sld [smem:$0x3FB1]  }
0x2f: {  	lr =	sadd.s32 s0, s3;
	s0 =	sld [smem:$0x3FA8]  }
0x30: {  	s3 =	sld [smem:$0x3FAB]  }
0x31: {  	[smem:$0x3FB4] =	sst s10  }
0x32: {  	s10 =	sld [smem:$0x3FB2];
	_ =	sdelay $0x3  }
0x33: {  	p0 =	seq.s32 s10, $0x1;
	s10 =	sld [smem:$0x3FB4];
	_ =	sdelay $0x3  }
0x34: {  	[smem:$0x3FB4] =	sst s10  }
0x35: {  	s10 =	sld [smem:$0x3FB3];
	_ =	sdelay $0x3  }
0x36: {  	p1 =	seq.s32 s10, $0x1;
	s10 =	sld [smem:$0x3FB4];
	_ =	sdelay $0x3  }
0x37: {  	[smem:$0x3FB4] =	sst s10  }
0x38: {  	s10 =	sld [smem:$0x3FB5]  }
0x39: {  	_ = 	snop;
	(pc) =	sbr.ind lr, $3  }
0x3a: {  	_ = 	snop  }
0x3b: {  	_ = 	snop  }
0x3c: {  	p2 =	seq.s32 s10, $0x1;
	s10 =	sld [smem:$0x3FB4]  }
0x3d: {  	_ =	shalt  }
0x3e: {  	_ =	shalt  }
0x3f: {  	_ =	shalt  }
0x40: {  	_ =	shalt  }
0x41: {  	_ =	shalt  }
0x42: {  	_ =	shalt  }
0x43: {  	_ =	shalt  }
0x44: {  	_ =	shalt  }
0x45: {  	_ =	shalt  }
0x46: {  	_ =	shalt  }
0x47: {  	_ =	shalt  }
0x48: {  	_ =	shalt  }
0x49: {  	_ =	shalt  }
0x4a: {  	_ =	shalt  }
0x4b: {  	_ =	shalt  }
0x4c: {  	_ =	shalt  }
0x4d: {  	_ =	shalt  }
0x4e: {  	_ =	shalt  }
0x4f: {  	_ =	shalt  }
0x50: {  	_ =	shalt  }
0x51: {  	_ =	shalt  }
0x52: {  	_ =	shalt  }
0x53: {  	_ =	shalt  }
0x54: {  	_ =	shalt  }
0x55: {  	_ =	shalt  }
0x56: {  	_ =	shalt  }
0x57: {  	_ =	shalt  }
0x58: {  	_ =	shalt  }
0x59: {  	_ =	shalt  }
0x5a: {  	_ =	shalt  }
0x5b: {  	_ =	shalt  }
0x5c: {  	_ =	shalt  }
0x5d: {  	_ =	shalt  }
0x5e: {  	_ =	shalt  }
0x5f: {  	_ =	shalt  }
0x60: {  	_ =	shalt  }
0x61: {  	_ =	shalt  }
0x62: {  	_ =	shalt  }
0x63: {  	_ =	shalt  }
0x64: {  	_ =	shalt  }
0x65: {  	_ =	shalt  }
0x66: {  	_ =	shalt  }
0x67: {  	_ =	shalt  }
0x68: {  	_ =	shalt  }
0x69: {  	_ =	shalt  }
0x6a: {  	_ =	shalt  }
0x6b: {  	_ =	shalt  }
0x6c: {  	_ =	shalt  }
0x6d: {  	_ =	shalt  }
0x6e: {  	_ =	shalt  }
0x6f: {  	_ =	shalt  }
0x70: {  	_ =	shalt  }
0x71: {  	_ =	shalt  }
0x72: {  	_ =	shalt  }
0x73: {  	_ =	shalt  }
0x74: {  	_ =	shalt  }
0x75: {  	_ =	shalt  }
0x76: {  	_ =	shalt  }
0x77: {  	_ =	shalt  }
0x78: {  	_ =	shalt  }
0x79: {  	_ =	shalt  }
0x7a: {  	_ =	shalt  }
0x7b: {  	_ =	shalt  }
0x7c: {  	_ =	shalt  }
0x7d: {  	_ =	shalt  }
0x7e: {  	_ =	shalt  }
0x7f: {  	_ =	shalt  }
0x80: {  	_ =	shalt  }
0x81: {  	_ =	shalt  }
0x82: {  	_ =	shalt  }
0x83: {  	_ =	shalt  }
0x84: {  	_ =	shalt  }
0x85: {  	_ =	shalt  }
0x86: {  	_ =	shalt  }
0x87: {  	_ =	shalt  }
.Lfunc_end0:
.L_simem_size_0:
called_computation.1_lowered:
.L_overlay_start_0:
0x88: {  	s2 =	sld [smem:$0x3FD9]  }
0x89: {  	s3 =	sld [smem:$0x3FFE];
	_ =	sdelay $0x1  }
0x8a: {  	s1 =	srdreg.scid  }
0x8b: {  	s0 =	sand.u32 $0x1, s1  }
0x8c: {  	s16 =	sshll.u32 s0, $0xA;
	s2 =	sadd.s32 s3, s2  }
0x8d: {  	s2 =	sadd.s32 s2, s16  }
0x8e: {  	[smem:$0x3FC0] =	sst s2  }
0x8f: {  	_ = 	snop  }
0x90: {  	(tm) =	ssettm $0x1  }
0x91: {  	s17 =	sld [smem:$0x3FFB];
	_ =	sdelay $0x3  }
0x92: {  	_ =	strace s17  }
0x93: {  	s2 =	sld [smem:$0x3FFC];
	_ =	sdelay $0x3  }
0x94: {  	_ =	strace s2  }
0x95: {  	s2 =	sld [smem:$0x3FFD];
	_ =	sdelay $0x3  }
0x96: {  	_ =	strace s2  }
0x97: {  	_ =	strace $0x8FFFFFFF  }
0x98: {  	s18 =	sld [smem:$0x3FDB];
	_ =	sdelay $0x1  }
0x99: {  	s19 =	simm.s32 $_scs_section_size  }
0x9a: {  	s4 =	simm.s32 $_size__tile_overlayer_lowered;
	s5 =	simm.s32 $_tile_overlayer_lowered  }
0x9b: {  	s22 =	simm.s32 $0x1BFF;
	s21 =	sshll.u32 s5, $0x1;
	s2 =	sadd.s32 s19, s18  }
0x9c: {  	s6 =	simm.s32 $0x0;
	s20 =	sshll.u32 s4, $0x1;
	s4 =	sadd.s32 s21, s2  }
0x9d: {  	[timem:s6], [sflag:s22] =	dma.local [hbm:s4], s20  }
0x9e: {  	_ =	swait.ge [sflag:s22], s20  }
0x9f: {  	s3 =	ssub.s32 $0x0, s20;
	[sflag:s22] =	ssyncset.done $0x0  }
0xa0: {  	[sflag:s22] =	ssyncadd.s32 s3;
	_ =	sdelay $0x1  }
0xa1: {  	s23 =	simm.s32 $0x1B8B  }
0xa2: {  	_ =	swait.ge [sflag:s23], $0x1  }
0xa3: {  	[sflag:s23] =	ssyncset.done $0x0  }
0xa4: {  	s25 =	simm.s32 $0x1B8E;
	s24 =	sld [smem:$0x3FFE];
	[sflag:s23] =	ssyncadd.s32 $0xFFFFFFFF  }
0xa5: {  	s26 =	simm.s32 $execute0_lowered;
	[smem:$0x3FD2] =	sst s25  }
0xa6: {  	s4 =	sshll.u32 s26, $0x1;
	_ =	strace $0x80000049;
	[dreg:$0x1] =	wrdreg $0xFFFFFFFF  }
0xa7: {  	s28 =	simm.s32 $_size_execute0_lowered;
	s2 =	sadd.s32 s2, s4;
	[dreg:$0x0] =	wrdreg $0x0  }
0xa8: {  	s4 =	sshll.u32 s28, $0x1;
	[dreg:$0x2] =	wrdreg s2  }
0xa9: {  	[dreg:$0x3] =	wrdreg s4  }
0xaa: {  	[dreg:$0x4] =	wrdreg $0xC0  }
0xab: {  	_ =	task [dreg:s6], $0x5FFFF  }
0xac: {  	[dreg:$0x1] =	wrdreg $0xFFFFFFFF  }
0xad: {  	[dreg:$0x0] =	wrdreg $0x60  }
0xae: {  	[dreg:$0x2] =	wrdreg s24  }
0xaf: {  	[dreg:$0x3] =	wrdreg $0x82000  }
0xb0: {  	[dreg:$0x4] =	wrdreg $0x9  }
0xb1: {  	_ =	task.clear_ibuf [dreg:s6], $0x5FFFF;
	_ =	strace $0x90000049  }
0xb2: {  	s29 =	simm.s32 $0x9;
	_ =	strace $0x8000004B  }
0xb3: {  	_ =	swait.ge [sflag:s29], $0x1  }
0xb4: {  	[sflag:s29] =	ssyncadd.s32 $0xFFFFFFFF  }
0xb5: {  	_ =	strace $0x9000004B  }
0xb6: {  	_ =	sfence  }
0xb7: {  	s30 =	sld [smem:$0x0];
	_ =	sdelay $0x2  }
0xb8: {  	s31 =	sshll.u32 s1, $0xD;
	s1 =	sshrl.u32 s1, $0x2  }
0xb9: {  	s3 =	sand.u32 $0x4000, s31;
	s1 =	sadd.s32 s1, s30  }
0xba: {  	s0 =	sor.u32 s3, s0;
	s1 =	sshll.u32 s1, $0x11  }
0xbb: {  	s0 =	sor.u32 s1, s0  }
0xbc: {  	s0 =	sadd.s32 $0x8F2B, s0  }
0xbd: {  	[sflag:s0] =	ssyncadd.remote.s32 $0x1  }
0xbe: {  	_ =	sfence.sel $0xFFFF  }
0xbf: {  	[dreg:$0x0] =	wrdreg $0xFFFFFFFF;
	(pc) =	sbr.abs _section_cstart, $3  }
0xc0: {  	[dreg:$0x1] =	wrdreg $0xFFFFFFFF  }
0xc1: {  	_ =	task.clear_ibuf [dreg:s6], $0x2FFFF;
	_ =	strace $0x9FFFFFFF  }
0xc2: {  	(tm) =	ssettm $0x7FFFFFFF  }
0xc3: {  	_ =	shalt  }
tec
execute0_lowered:
.L_overlay_start_1:
0x0: {  	(tag) =	ssettag $0x1  }
0x1: {  	s5 =	rddreg [dreg:$0x0]  }
0x2: {  	s1 =	rddreg [dreg:$0x1];
	s2 =	stileid.u32  }
0x3: {  	s0 =	rddreg [dreg:$0x2];
	s3 =	simm.s32 $0x0;
	s7 =	smul.u32 $0x2800, s2  }
0x4: {  	s6 =	srdreg.scid;
	s19 =	simm.s32 $0x200;
	s11 =	smul.u32 $0x50000, s2  }
0x5: {  	s20 =	simm.s32 $0x180;
	[smem:$0x7FF] =	sst s3;
	s25 =	smul.u32 $0x4F00, s2  }
0x6: {  	s4 =	sadd.s32 $0x22600, s5;
	s12 =	sadd.s32 $0xEA00, s5;
	s26 =	smul.u32 $0x300, s2  }
0x7: {  	s8 =	sand.u32 $0x1, s6;
	s14 =	sadd.s32 $0x3C00, s5;
	s18 =	smul.u32 $0x9E0, s2  }
0x8: {  	s28 =	sshll.u32 s2, $0x6;
	_ =	strace $0x8000004A;
	s6 =	smul.u32 $0x28000, s8  }
0x9: {  	s9 =	sshll.u32 s8, $0x4;
	s21 =	ssub.s32 $0x2, s8;
	s31 =	smul.u32 $0x9E00, s8  }
0xa: {  	s10 =	sadd.s32 s7, s5;
	s9 =	sor.u32 s2, s9;
	s22 =	sshrl.u32 s21, $0x1  }
0xb: {  	s24 =	sshrl.u32 s11, $0x2;
	s6 =	sadd.s32 s7, s6;
	s13 =	smul.u32 $0x4F00, s9  }
0xc: {  	s23 =	smul.u32 $0x300, s9;
	s16 =	ssub.s32 s21, s22;
	s17 =	sadd.s32 s24, s1  }
0xd: {  	s7 =	sand.u32 $0x7FC00, s25;
	s9 =	sand.u32 $0x300, s26;
	s21 =	simm.s32 $0x4  }
0xe: {  	s22 =	simm.s32 $0x4200;
	s24 =	simm.s32 $0x3;
	s25 =	simm.s32 $0x2  }
0xf: {  	s26 =	simm.s32 $0x0;
	s15 =	sadd.s32 s6, s5;
	s5 =	sadd.s32 $0x70800, s10  }
0x10: {  	s9 =	sor.u32 s9, s7;
	s29 =	sand.u32 $0xFFC00, s13;
	s6 =	sand.u32 $0x300, s23  }
0x11: {  	s9 =	sshrl.u32 s9, $0x3;
	s13 =	sadd.s32 s31, s12;
	s23 =	simm.s32 $0x1  }
0x12: {  	s11 =	sor.u32 s6, s29;
	s6 =	sor.u32 $0x1C05, s28;
	s8 =	sadd.s32 s14, s9  }
0x13: {  	s13 =	sadd.s32 s18, s13;
	s14 =	sadd.s32 s18, s14;
	s18 =	simm.s32 $0x80  }
0x14: {  	s30 =	sshrl.u32 s11, $0x3;
	s10 =	sadd.s32 $0x10, s8;
	s11 =	sadd.s32 $0x98800, s15  }
0x15: {  	s15 =	sshrl.u32 s17, $0x3;
	s17 =	simm.s32 $0x100;
	s7 =	sadd.s32 s12, s30  }
0x16: {  	s12 =	smax.u32 s16, $0x1;
	s16 =	simm.s32 $0x5;
	s9 =	sadd.s32 $0x10, s7  }
.LBB2_1:
0x17: {  	[spmem:s15], [sflag:s6] =	dma.local [hbm:s5], $0x2800  }
0x18: {  	_ =	swait.ge [sflag:s16], $0x2800  }
0x19: {  	[sflag:s16] =	ssyncset.done $0x0  }
0x1a: {  	[sflag:s16] =	ssyncadd.s32 $0xFFFFD800  }
0x1b: {  	[bflag:$0x0] =	sbarrier.arrive $0xFFFF  }
0x1c: {  	[tilespmem:s3], [sflag:$0x5] =	stream.linear.gather [hbm4b:s7+s3], $0x80, $0x38;
	[tilespmem:$0x1C200] =	vst v63  }
0x1d: {  	_ =	swait.ge [sflag:s16], $0x80  }
0x1e: {  	[sflag:s16] =	ssyncset.done $0x0  }
0x1f: {  	[sflag:s16] =	ssyncadd.s32 $0xFFFFFF80  }
0x20: {  	[tilespmem:s17], [sflag:$0x5] =	stream.linear.gather [hbm4b:s8+s3], $0x80, $0x38;
	[tilespmem:$0x1C200] =	vst v63  }
0x21: {  	_ =	swait.ge [sflag:s16], $0x80  }
0x22: {  	[sflag:s16] =	ssyncset.done $0x0  }
0x23: {  	[sflag:s16] =	ssyncadd.s32 $0xFFFFFF80  }
0x24: {  	[tilespmem:s19], [sflag:$0x1] =	stream.indirect.gather [hbm4b:s4+s18], $0x80, s3, s18, $0xb8;
	[tilespmem:$0x1C200] =	vst v63  }
0x25: {  	_ = 	snop  }
0x26: {  	[tilespmem:s18], [sflag:$0x4] =	stream.linear.gather [hbm4b:s9+s3], $0x80, $0x38;
	[tilespmem:$0x1C200] =	vst v63  }
0x27: {  	_ = 	snop  }
0x28: {  	[tilespmem:s20], [sflag:$0x4] =	stream.linear.gather [hbm4b:s10+s3], $0x80, $0x38;
	[tilespmem:$0x1C200] =	vst v63  }
0x29: {  	_ =	swait.ge [sflag:s21], $0x80  }
0x2a: {  	[sflag:s21] =	ssyncset.done $0x0  }
0x2b: {  	[sflag:s21] =	ssyncadd.s32 $0xFFFFFF80  }
0x2c: {  	_ =	swait.ge [sflag:s21], $0x80  }
0x2d: {  	[sflag:s21] =	ssyncset.done $0x0  }
0x2e: {  	[sflag:s21] =	ssyncadd.s32 $0xFFFFFF80  }
0x2f: {  	[tilespmem:s22], [sflag:$0x2] =	stream.indirect.gather [hbm4b:s4+s18], $0x80, s18, s18, $0xb8;
	[tilespmem:$0x1C200] =	vst v63  }
0x30: {  	_ =	swait.ge [sflag:s23], $0x4000  }
0x31: {  	[sflag:s23] =	ssyncset.done $0x0  }
0x32: {  	[sflag:s23] =	ssyncadd.s32 $0xFFFFC000  }
0x33: {  	[spmem:s1] =	stream.indirect.scatter.add.f32 [tilespmem:s19], [sflag:$0x5], $0x80, s17, s18, $0xb8;
	[tilespmem:$0x1C200] =	vst v63  }
0x34: {  	_ =	swait.ge [sflag:s16], $0x4000  }
0x35: {  	s28 =	sadd.s32 $0x0, s13;
	[sflag:s16] =	ssyncset.done $0x0  }
0x36: {  	s30 =	sadd.s32 $0x0, s14;
	s29 =	sadd.s32 $0x20, s28;
	[sflag:s16] =	ssyncadd.s32 $0xFFFFC000  }
0x37: {  	[tilespmem:s3], [sflag:$0x3] =	stream.linear.gather [hbm4b:s29+s3], $0x80, $0x38;
	[tilespmem:$0x1C200] =	vst v63  }
0x38: {  	s29 =	sadd.s32 $0x20, s30  }
0x39: {  	[tilespmem:s17], [sflag:$0x3] =	stream.linear.gather [hbm4b:s29+s3], $0x80, $0x38;
	[tilespmem:$0x1C200] =	vst v63  }
0x3a: {  	_ =	swait.ge [sflag:s24], $0x80  }
0x3b: {  	[sflag:s24] =	ssyncset.done $0x0  }
0x3c: {  	[sflag:s24] =	ssyncadd.s32 $0xFFFFFF80  }
0x3d: {  	_ =	swait.ge [sflag:s24], $0x80  }
0x3e: {  	[sflag:s24] =	ssyncset.done $0x0  }
0x3f: {  	[sflag:s24] =	ssyncadd.s32 $0xFFFFFF80  }
0x40: {  	[tilespmem:s19], [sflag:$0x1] =	stream.indirect.gather [hbm4b:s4+s18], $0x80, s3, s18, $0xb8;
	[tilespmem:$0x1C200] =	vst v63  }
0x41: {  	_ =	swait.ge [sflag:s25], $0x4000  }
0x42: {  	[sflag:s25] =	ssyncset.done $0x0  }
0x43: {  	[sflag:s25] =	ssyncadd.s32 $0xFFFFC000  }
0x44: {  	[spmem:s1] =	stream.indirect.scatter.add.f32 [tilespmem:s22], [sflag:$0x5], $0x80, s20, s18, $0xb8;
	[tilespmem:$0x1C200] =	vst v63  }
0x45: {  	_ =	swait.ge [sflag:s16], $0x4000  }
0x46: {  	[sflag:s16] =	ssyncset.done $0x0  }
0x47: {  	s28 =	sadd.s32 $0x30, s28;
	[sflag:s16] =	ssyncadd.s32 $0xFFFFC000  }
0x48: {  	[tilespmem:s18], [sflag:$0x4] =	stream.linear.gather [hbm4b:s28+s3], $0x80, $0x38;
	[tilespmem:$0x1C200] =	vst v63  }
0x49: {  	s29 =	sadd.s32 $0x30, s30;
	s28 =	simm.s32 $0x20  }
.LBB2_2:
0x4a: {  	[tilespmem:s20], [sflag:$0x4] =	stream.linear.gather [hbm4b:s29+s3], $0x80, $0x38;
	[tilespmem:$0x1C200] =	vst v63  }
0x4b: {  	s29 =	smov.u32 s28  }
0x4c: {  	p0 =	sne.s32 s28, $0x9A0;
	s28 =	sadd.s32 $0x20, s28;
	_ =	swait.ge [sflag:s21], $0x80  }
0x4d: {  	[sflag:s21] =	ssyncset.done $0x0  }
0x4e: {  	[sflag:s21] =	ssyncadd.s32 $0xFFFFFF80  }
0x4f: {  	_ =	swait.ge [sflag:s21], $0x80  }
0x50: {  	[sflag:s21] =	ssyncset.done $0x0  }
0x51: {  	[sflag:s21] =	ssyncadd.s32 $0xFFFFFF80  }
0x52: {  	[tilespmem:s22], [sflag:$0x2] =	stream.indirect.gather [hbm4b:s4+s18], $0x80, s18, s18, $0xb8;
	[tilespmem:$0x1C200] =	vst v63  }
0x53: {  	_ =	swait.ge [sflag:s23], $0x4000  }
0x54: {  	[sflag:s23] =	ssyncset.done $0x0  }
0x55: {  	[sflag:s23] =	ssyncadd.s32 $0xFFFFC000  }
0x56: {  	[spmem:s1] =	stream.indirect.scatter.add.f32 [tilespmem:s19], [sflag:$0x5], $0x80, s17, s18, $0xb8;
	[tilespmem:$0x1C200] =	vst v63  }
0x57: {  	_ =	swait.ge [sflag:s16], $0x4000  }
0x58: {  	s30 =	sadd.s32 s29, s13;
	[sflag:s16] =	ssyncset.done $0x0  }
0x59: {  	s29 =	sadd.s32 s29, s14;
	s31 =	sadd.s32 $0x20, s30;
	[sflag:s16] =	ssyncadd.s32 $0xFFFFC000  }
0x5a: {  	[tilespmem:s3], [sflag:$0x3] =	stream.linear.gather [hbm4b:s31+s3], $0x80, $0x38;
	[tilespmem:$0x1C200] =	vst v63  }
0x5b: {  	s31 =	sadd.s32 $0x20, s29  }
0x5c: {  	[tilespmem:s17], [sflag:$0x3] =	stream.linear.gather [hbm4b:s31+s3], $0x80, $0x38;
	[tilespmem:$0x1C200] =	vst v63  }
0x5d: {  	_ =	swait.ge [sflag:s24], $0x80  }
0x5e: {  	[sflag:s24] =	ssyncset.done $0x0  }
0x5f: {  	[sflag:s24] =	ssyncadd.s32 $0xFFFFFF80  }
0x60: {  	_ =	swait.ge [sflag:s24], $0x80  }
0x61: {  	[sflag:s24] =	ssyncset.done $0x0  }
0x62: {  	[sflag:s24] =	ssyncadd.s32 $0xFFFFFF80  }
0x63: {  	[tilespmem:s19], [sflag:$0x1] =	stream.indirect.gather [hbm4b:s4+s18], $0x80, s3, s18, $0xb8;
	[tilespmem:$0x1C200] =	vst v63  }
0x64: {  	_ =	swait.ge [sflag:s25], $0x4000  }
0x65: {  	[sflag:s25] =	ssyncset.done $0x0  }
0x66: {  	[sflag:s25] =	ssyncadd.s32 $0xFFFFC000  }
0x67: {  	[spmem:s1] =	stream.indirect.scatter.add.f32 [tilespmem:s22], [sflag:$0x5], $0x80, s20, s18, $0xb8;
	[tilespmem:$0x1C200] =	vst v63  }
.Ltmp0:
0x68: {  	_ =	swait.ge [sflag:s16], $0x4000;
	(pc) =	sbr.rel @p0 .LBB2_2-.Ltmp0, $4  }
0x69: {  	[sflag:s16] =	ssyncset.done $0x0  }
0x6a: {  	s30 =	sadd.s32 $0x30, s30;
	[sflag:s16] =	ssyncadd.s32 $0xFFFFC000  }
0x6b: {  	[tilespmem:s18], [sflag:$0x4] =	stream.linear.gather [hbm4b:s30+s3], $0x80, $0x38;
	[tilespmem:$0x1C200] =	vst v63  }
0x6c: {  	s29 =	sadd.s32 $0x30, s29  }
0x6d: {  	[tilespmem:s20], [sflag:$0x4] =	stream.linear.gather [hbm4b:s29+s3], $0x80, $0x38;
	[tilespmem:$0x1C200] =	vst v63  }
0x6e: {  	_ =	swait.ge [sflag:s21], $0x80  }
0x6f: {  	[sflag:s21] =	ssyncset.done $0x0  }
0x70: {  	[sflag:s21] =	ssyncadd.s32 $0xFFFFFF80  }
0x71: {  	_ =	swait.ge [sflag:s21], $0x80  }
0x72: {  	[sflag:s21] =	ssyncset.done $0x0  }
0x73: {  	[sflag:s21] =	ssyncadd.s32 $0xFFFFFF80  }
0x74: {  	[tilespmem:s22], [sflag:$0x2] =	stream.indirect.gather [hbm4b:s4+s18], $0x80, s18, s18, $0xb8;
	[tilespmem:$0x1C200] =	vst v63  }
0x75: {  	_ =	swait.ge [sflag:s23], $0x4000  }
0x76: {  	[sflag:s23] =	ssyncset.done $0x0  }
0x77: {  	[sflag:s23] =	ssyncadd.s32 $0xFFFFC000  }
0x78: {  	[spmem:s1] =	stream.indirect.scatter.add.f32 [tilespmem:s19], [sflag:$0x5], $0x80, s17, s18, $0xb8;
	[tilespmem:$0x1C200] =	vst v63  }
0x79: {  	_ =	swait.ge [sflag:s16], $0x4000  }
0x7a: {  	[sflag:s16] =	ssyncset.done $0x0  }
0x7b: {  	[sflag:s16] =	ssyncadd.s32 $0xFFFFC000  }
0x7c: {  	_ =	swait.ge [sflag:s25], $0x4000  }
0x7d: {  	[sflag:s25] =	ssyncset.done $0x0  }
0x7e: {  	[sflag:s25] =	ssyncadd.s32 $0xFFFFC000  }
0x7f: {  	[spmem:s1] =	stream.indirect.scatter.add.f32 [tilespmem:s22], [sflag:$0x5], $0x80, s20, s18, $0xb8;
	[tilespmem:$0x1C200] =	vst v63  }
0x80: {  	_ =	swait.ge [sflag:s16], $0x4000  }
0x81: {  	s26 =	sadd.s32 $0x1, s26;
	[sflag:s16] =	ssyncset.done $0x0  }
0x82: {  	p0 =	sne.s32 s26, s12;
	[sflag:s16] =	ssyncadd.s32 $0xFFFFC000  }
.Ltmp1:
0x83: {  	[bflag:$0x0] =	sbarrier.arrive $0xFFFF;
	(pc) =	sbr.rel @p0 .LBB2_1-.Ltmp1, $4  }
0x84: {  	[hbm:s11], [sflag:s6] =	dma.local [spmem:s15], $0x2800  }
0x85: {  	_ =	swait.ge [sflag:s16], $0x2800  }
0x86: {  	[sflag:s16] =	ssyncset.done $0x0  }
0x87: {  	[sflag:s16] =	ssyncadd.s32 $0xFFFFD800  }
0x88: {  	_ =	sfence.sel $0x180000  }
0x89: {  	[bflag:$0x0] =	sbarrier.arrive $0xFFFF  }
0x8a: {  	p0 =	sne.s32 s2, $0x0;
	_ =	strace $0x9000004A  }
0x8b: {  	s0 =	sadd.s32 @!p0 $0x100000, s0;
	[bflag:$0x2] =	sbarrier.arrive $0xFFFF  }
0x8c: {  	[sflag:s0] =	ssyncadd.tile.s32 @!p0 $0x1;
	_ =	shalt  }
.Lfunc_end2:
_tile_overlayer_lowered:
.L_overlay_start_2:
0x8d: {  	(tag) =	ssettag $0x2  }
0x8e: {  	s0 =	rddreg [dreg:$0x0];
	s2 =	stileid.u32  }
0x8f: {  	s1 =	rddreg [dreg:$0x1];
	p0 =	sne.s32 s2, $0x0  }
0x90: {  	s3 =	rddreg [dreg:$0x2];
	[bflag:$0x3] =	sbarrier.arrive $0xFFFF;
	s2 =	simm.s32 @!p0 $0x1C05  }
0x91: {  	[timem:s3], [sflag:s2] =	dma.local @!p0 [hbm:s0], s1  }
0x92: {  	s0 =	simm.s32 @!p0 $0x5  }
0x93: {  	_ =	swait.ge @!p0 [sflag:s0], s1  }
0x94: {  	s1 =	ssub.s32 @!p0 $0x0, s1;
	[sflag:s0] =	ssyncset.done @!p0 $0x0  }
0x95: {  	[sflag:s0] =	ssyncadd.s32 @!p0 s1  }
0x96: {  	[bflag:$0x3] =	sbarrier.arrive $0xFFFF  }
0x97: {  	_ =	shalt  }

// kernel: kernel.14.cloned.1.call-start
scs
__scs_entry_jumppad:
0x0: {  	(pc) =	sbr.rel $0x88, $3  }
0x1: {  	(tag) =	ssettag $0x0;
	lr =	simm.s32 $0x1  }
0x2: {  	[smem:$0x3F99] =	sst lr;
	_ =	strace $0xD0000000  }
0x3: {  	_ = 	snop  }
0x4: {  	_ = 	snop  }
0x5: {  	_ = 	snop  }
0x6: {  	_ = 	snop  }
0x7: {  	_ = 	snop  }
__scs_overlays_trampoline_lowered:
0x8: {  	[smem:$0x3FA8] =	sst s0  }
0x9: {  	[smem:$0x3FA9] =	sst s1  }
0xa: {  	[smem:$0x3FAA] =	sst s2  }
0xb: {  	[smem:$0x3FAB] =	sst s3  }
0xc: {  	[smem:$0x3FAC] =	sst s4  }
0xd: {  	[smem:$0x3FAD] =	sst s5  }
0xe: {  	[smem:$0x3FAE] =	sst s6  }
0xf: {  	[smem:$0x3FAF] =	sst s7  }
0x10: {  	[smem:$0x3FB0] =	sst s8  }
0x11: {  	[smem:$0x3FB1] =	sst s9;
	s0 =	simm.s32 @!p0 $0x0  }
0x12: {  	s1 =	sld [smem:$0x3F97];
	s0 =	simm.s32 @p0 $0x1  }
0x13: {  	[smem:$0x3FB2] =	sst s0;
	s0 =	simm.s32 @!p1 $0x0  }
0x14: {  	s2 =	sld [smem:$0x3F96];
	s0 =	simm.s32 @p1 $0x1  }
0x15: {  	[smem:$0x3FB3] =	sst s0;
	s0 =	simm.s32 @!p2 $0x0  }
0x16: {  	s3 =	sld [smem:$0x3FDB];
	s0 =	simm.s32 @p2 $0x1  }
0x17: {  	s4 =	simm.s32 $0x1BF5;
	[smem:$0x3FB5] =	sst s0  }
0x18: {  	s0 =	sld [smem:$0x3F98];
	_ =	swait.ge [sflag:s4], $0x0  }
0x19: {  	s7 =	sld [smem:$0x3F99]  }
0x1a: {  	s8 =	sadd.s32 $0xFFFFE003, lr  }
0x1b: {  	s9 =	sadd.s32 $0xFFFFFEF7, lr;
	s5 =	simm.s32 $0xFFFFFFFF;
	p2 =	slt.u32 s8, $0xFFFFF086  }
0x1c: {  	p1 =	slt.u32 s9, $0xF7A;
	s5 =	simm.s32 @!p2 $0x0  }
0x1d: {  	s5 =	simm.s32 @p1 $0x1;
	p0 =	seq.s32 s7, s2  }
0x1e: {  	s7 =	smul.u32 @!p0 $0xF7A, s2;
	p2 =	seq.s32 @!p0 s5, $0x0  }
0x1f: {  	s9 =	smul.u32 $0xF7A, s1;
	s8 =	simm.s32 @!p0 $0x1BF5;
	p2 =	por !p2, p0  }
0x20: {  	[sflag:s8] =	ssyncset.s32 @!p0 $0xFFFFF086;
	s6 =	sadd.s32 @!p0 s3, s7;
	s7 =	simm.s32 @!p0 $0x108  }
0x21: {  	s3 =	sadd.s32 s3, s9;
	s6 =	sadd.s32 @!p0 $0x88, s6;
	s7 =	simm.s32 @p2 $0x1082  }
0x22: {  	[simem:s7], [sflag:s8] =	dma.local @!p0 [hbm:s6], $0xF7A  }
0x23: {  	s9 =	sor.u32 $0xD0000000, s2;
	s6 =	simm.s32 $0x108;
	_ =	swait.ge @!p0 [sflag:s8], $0x0  }
0x24: {  	s3 =	sadd.s32 $0x88, s3;
	s6 =	simm.s32 @!p1 $0x1082;
	[sflag:s4] =	ssyncset.s32 $0xFFFFF086  }
0x25: {  	[simem:s6], [sflag:s4] =	dma.local [hbm:s3], $0xF7A  }
0x26: {  	[smem:$0x3F99] =	sst s1;
	(tag) =	ssettag s2;
	_ =	strace s9  }
0x27: {  	s1 =	sld [smem:$0x3FA9]  }
0x28: {  	s2 =	sld [smem:$0x3FAA]  }
0x29: {  	s4 =	sld [smem:$0x3FAC]  }
0x2a: {  	p0 =	seq.s32 s5, $0x0;
	s5 =	sld [smem:$0x3FAD]  }
0x2b: {  	s6 =	sld [smem:$0x3FAE]  }
0x2c: {  	s7 =	sld [smem:$0x3FAF]  }
0x2d: {  	s3 =	simm.s32 $0x108;
	s8 =	sld [smem:$0x3FB0]  }
0x2e: {  	s3 =	simm.s32 @!p0 $0x1082;
	s9 =	sld [smem:$0x3FB1]  }
0x2f: {  	lr =	sadd.s32 s0, s3;
	s0 =	sld [smem:$0x3FA8]  }
0x30: {  	s3 =	sld [smem:$0x3FAB]  }
0x31: {  	[smem:$0x3FB4] =	sst s10  }
0x32: {  	s10 =	sld [smem:$0x3FB2];
	_ =	sdelay $0x3  }
0x33: {  	p0 =	seq.s32 s10, $0x1;
	s10 =	sld [smem:$0x3FB4];
	_ =	sdelay $0x3  }
0x34: {  	[smem:$0x3FB4] =	sst s10  }
0x35: {  	s10 =	sld [smem:$0x3FB3];
	_ =	sdelay $0x3  }
0x36: {  	p1 =	seq.s32 s10, $0x1;
	s10 =	sld [smem:$0x3FB4];
	_ =	sdelay $0x3  }
0x37: {  	[smem:$0x3FB4] =	sst s10  }
0x38: {  	s10 =	sld [smem:$0x3FB5]  }
0x39: {  	_ = 	snop;
	(pc) =	sbr.ind lr, $3  }
0x3a: {  	_ = 	snop  }
0x3b: {  	_ = 	snop  }
0x3c: {  	p2 =	seq.s32 s10, $0x1;
	s10 =	sld [smem:$0x3FB4]  }
0x3d: {  	_ =	shalt  }
0x3e: {  	_ =	shalt  }
0x3f: {  	_ =	shalt  }
0x40: {  	_ =	shalt  }
0x41: {  	_ =	shalt  }
0x42: {  	_ =	shalt  }
0x43: {  	_ =	shalt  }
0x44: {  	_ =	shalt  }
0x45: {  	_ =	shalt  }
0x46: {  	_ =	shalt  }
0x47: {  	_ =	shalt  }
0x48: {  	_ =	shalt  }
0x49: {  	_ =	shalt  }
0x4a: {  	_ =	shalt  }
0x4b: {  	_ =	shalt  }
0x4c: {  	_ =	shalt  }
0x4d: {  	_ =	shalt  }
0x4e: {  	_ =	shalt  }
0x4f: {  	_ =	shalt  }
0x50: {  	_ =	shalt  }
0x51: {  	_ =	shalt  }
0x52: {  	_ =	shalt  }
0x53: {  	_ =	shalt  }
0x54: {  	_ =	shalt  }
0x55: {  	_ =	shalt  }
0x56: {  	_ =	shalt  }
0x57: {  	_ =	shalt  }
0x58: {  	_ =	shalt  }
0x59: {  	_ =	shalt  }
0x5a: {  	_ =	shalt  }
0x5b: {  	_ =	shalt  }
0x5c: {  	_ =	shalt  }
0x5d: {  	_ =	shalt  }
0x5e: {  	_ =	shalt  }
0x5f: {  	_ =	shalt  }
0x60: {  	_ =	shalt  }
0x61: {  	_ =	shalt  }
0x62: {  	_ =	shalt  }
0x63: {  	_ =	shalt  }
0x64: {  	_ =	shalt  }
0x65: {  	_ =	shalt  }
0x66: {  	_ =	shalt  }
0x67: {  	_ =	shalt  }
0x68: {  	_ =	shalt  }
0x69: {  	_ =	shalt  }
0x6a: {  	_ =	shalt  }
0x6b: {  	_ =	shalt  }
0x6c: {  	_ =	shalt  }
0x6d: {  	_ =	shalt  }
0x6e: {  	_ =	shalt  }
0x6f: {  	_ =	shalt  }
0x70: {  	_ =	shalt  }
0x71: {  	_ =	shalt  }
0x72: {  	_ =	shalt  }
0x73: {  	_ =	shalt  }
0x74: {  	_ =	shalt  }
0x75: {  	_ =	shalt  }
0x76: {  	_ =	shalt  }
0x77: {  	_ =	shalt  }
0x78: {  	_ =	shalt  }
0x79: {  	_ =	shalt  }
0x7a: {  	_ =	shalt  }
0x7b: {  	_ =	shalt  }
0x7c: {  	_ =	shalt  }
0x7d: {  	_ =	shalt  }
0x7e: {  	_ =	shalt  }
0x7f: {  	_ =	shalt  }
0x80: {  	_ =	shalt  }
0x81: {  	_ =	shalt  }
0x82: {  	_ =	shalt  }
0x83: {  	_ =	shalt  }
0x84: {  	_ =	shalt  }
0x85: {  	_ =	shalt  }
0x86: {  	_ =	shalt  }
0x87: {  	_ =	shalt  }
.Lfunc_end0:
.L_simem_size_0:
called_computation.2_lowered:
.L_overlay_start_0:
0x88: {  	s2 =	sld [smem:$0x3FD9]  }
0x89: {  	s3 =	sld [smem:$0x3FFE];
	_ =	sdelay $0x1  }
0x8a: {  	s1 =	srdreg.scid  }
0x8b: {  	s0 =	sand.u32 $0x1, s1  }
0x8c: {  	s16 =	sshll.u32 s0, $0xA;
	s2 =	sadd.s32 s3, s2  }
0x8d: {  	s2 =	sadd.s32 s2, s16  }
0x8e: {  	[smem:$0x3FC0] =	sst s2  }
0x8f: {  	_ = 	snop  }
0x90: {  	(tm) =	ssettm $0x1  }
0x91: {  	s17 =	sld [smem:$0x3FFB];
	_ =	sdelay $0x3  }
0x92: {  	_ =	strace s17  }
0x93: {  	s2 =	sld [smem:$0x3FFC];
	_ =	sdelay $0x3  }
0x94: {  	_ =	strace s2  }
0x95: {  	s2 =	sld [smem:$0x3FFD];
	_ =	sdelay $0x3  }
0x96: {  	_ =	strace s2  }
0x97: {  	_ =	strace $0x8FFFFFFF  }
0x98: {  	s18 =	sld [smem:$0x3FDB];
	_ =	sdelay $0x1  }
0x99: {  	s19 =	simm.s32 $_scs_section_size  }
0x9a: {  	s4 =	simm.s32 $_size__tile_overlayer_lowered;
	s5 =	simm.s32 $_tile_overlayer_lowered  }
0x9b: {  	s22 =	simm.s32 $0x1BFF;
	s21 =	sshll.u32 s5, $0x1;
	s2 =	sadd.s32 s19, s18  }
0x9c: {  	s6 =	simm.s32 $0x0;
	s20 =	sshll.u32 s4, $0x1;
	s4 =	sadd.s32 s21, s2  }
0x9d: {  	[timem:s6], [sflag:s22] =	dma.local [hbm:s4], s20  }
0x9e: {  	_ =	swait.ge [sflag:s22], s20  }
0x9f: {  	s3 =	ssub.s32 $0x0, s20;
	[sflag:s22] =	ssyncset.done $0x0  }
0xa0: {  	[sflag:s22] =	ssyncadd.s32 s3;
	_ =	sdelay $0x1  }
0xa1: {  	s23 =	simm.s32 $0x1B8B  }
0xa2: {  	_ =	swait.ge [sflag:s23], $0x1  }
0xa3: {  	[sflag:s23] =	ssyncset.done $0x0  }
0xa4: {  	s25 =	simm.s32 $0x1B8E;
	s24 =	sld [smem:$0x3FFE];
	[sflag:s23] =	ssyncadd.s32 $0xFFFFFFFF  }
0xa5: {  	s26 =	simm.s32 $execute0_lowered;
	[smem:$0x3FD2] =	sst s25  }
0xa6: {  	s4 =	sshll.u32 s26, $0x1;
	_ =	strace $0x8000004C;
	[dreg:$0x1] =	wrdreg $0xFFFFFFFF  }
0xa7: {  	s28 =	simm.s32 $_size_execute0_lowered;
	s2 =	sadd.s32 s2, s4;
	[dreg:$0x0] =	wrdreg $0x0  }
0xa8: {  	s4 =	sshll.u32 s28, $0x1;
	[dreg:$0x2] =	wrdreg s2  }
0xa9: {  	[dreg:$0x3] =	wrdreg s4  }
0xaa: {  	[dreg:$0x4] =	wrdreg $0xC0  }
0xab: {  	_ =	task [dreg:s6], $0x5FFFF  }
0xac: {  	[dreg:$0x1] =	wrdreg $0xFFFFFFFF  }
0xad: {  	[dreg:$0x0] =	wrdreg $0x60  }
0xae: {  	[dreg:$0x2] =	wrdreg s24  }
0xaf: {  	[dreg:$0x3] =	wrdreg $0x82000  }
0xb0: {  	[dreg:$0x4] =	wrdreg $0x9  }
0xb1: {  	_ =	task.clear_ibuf [dreg:s6], $0x5FFFF;
	_ =	strace $0x9000004C  }
0xb2: {  	s29 =	simm.s32 $0x9;
	_ =	strace $0x8000004E  }
0xb3: {  	_ =	swait.ge [sflag:s29], $0x1  }
0xb4: {  	[sflag:s29] =	ssyncadd.s32 $0xFFFFFFFF  }
0xb5: {  	_ =	strace $0x9000004E  }
0xb6: {  	_ =	sfence  }
0xb7: {  	s30 =	sld [smem:$0x0];
	_ =	sdelay $0x2  }
0xb8: {  	s31 =	sshll.u32 s1, $0xD;
	s1 =	sshrl.u32 s1, $0x2  }
0xb9: {  	s3 =	sand.u32 $0x4000, s31;
	s1 =	sadd.s32 s1, s30  }
0xba: {  	s0 =	sor.u32 s3, s0;
	s1 =	sshll.u32 s1, $0x11  }
0xbb: {  	s0 =	sor.u32 s1, s0  }
0xbc: {  	s0 =	sadd.s32 $0x8F2B, s0  }
0xbd: {  	[sflag:s0] =	ssyncadd.remote.s32 $0x1  }
0xbe: {  	_ =	sfence.sel $0xFFFF  }
0xbf: {  	[dreg:$0x0] =	wrdreg $0xFFFFFFFF;
	(pc) =	sbr.abs _section_cstart, $3  }
0xc0: {  	[dreg:$0x1] =	wrdreg $0xFFFFFFFF  }
0xc1: {  	_ =	task.clear_ibuf [dreg:s6], $0x2FFFF;
	_ =	strace $0x9FFFFFFF  }
0xc2: {  	(tm) =	ssettm $0x7FFFFFFF  }
0xc3: {  	_ =	shalt  }
tec
execute0_lowered:
.L_overlay_start_1:
0x0: {  	(tag) =	ssettag $0x1  }
0x1: {  	s5 =	rddreg [dreg:$0x0]  }
0x2: {  	s1 =	rddreg [dreg:$0x1];
	s2 =	stileid.u32  }
0x3: {  	s0 =	rddreg [dreg:$0x2];
	s3 =	simm.s32 $0x0;
	s7 =	smul.u32 $0x2800, s2  }
0x4: {  	s6 =	srdreg.scid;
	s19 =	simm.s32 $0x200;
	s11 =	smul.u32 $0x50000, s2  }
0x5: {  	s20 =	simm.s32 $0x180;
	[smem:$0x7FF] =	sst s3;
	s25 =	smul.u32 $0x4F00, s2  }
0x6: {  	s4 =	sadd.s32 $0x22600, s5;
	s12 =	sadd.s32 $0xEA00, s5;
	s26 =	smul.u32 $0x300, s2  }
0x7: {  	s8 =	sand.u32 $0x1, s6;
	s14 =	sadd.s32 $0x3C00, s5;
	s18 =	smul.u32 $0x9E0, s2  }
0x8: {  	s28 =	sshll.u32 s2, $0x6;
	_ =	strace $0x8000004D;
	s6 =	smul.u32 $0x28000, s8  }
0x9: {  	s9 =	sshll.u32 s8, $0x4;
	s21 =	ssub.s32 $0x2, s8;
	s31 =	smul.u32 $0x9E00, s8  }
0xa: {  	s10 =	sadd.s32 s7, s5;
	s9 =	sor.u32 s2, s9;
	s22 =	sshrl.u32 s21, $0x1  }
0xb: {  	s24 =	sshrl.u32 s11, $0x2;
	s6 =	sadd.s32 s7, s6;
	s13 =	smul.u32 $0x4F00, s9  }
0xc: {  	s23 =	smul.u32 $0x300, s9;
	s16 =	ssub.s32 s21, s22;
	s17 =	sadd.s32 s24, s1  }
0xd: {  	s7 =	sand.u32 $0x7FC00, s25;
	s9 =	sand.u32 $0x300, s26;
	s21 =	simm.s32 $0x4  }
0xe: {  	s22 =	simm.s32 $0x4200;
	s24 =	simm.s32 $0x3;
	s25 =	simm.s32 $0x2  }
0xf: {  	s26 =	simm.s32 $0x0;
	s15 =	sadd.s32 s6, s5;
	s5 =	sadd.s32 $0x70800, s10  }
0x10: {  	s9 =	sor.u32 s9, s7;
	s29 =	sand.u32 $0xFFC00, s13;
	s6 =	sand.u32 $0x300, s23  }
0x11: {  	s9 =	sshrl.u32 s9, $0x3;
	s13 =	sadd.s32 s31, s12;
	s23 =	simm.s32 $0x1  }
0x12: {  	s11 =	sor.u32 s6, s29;
	s6 =	sor.u32 $0x1C05, s28;
	s8 =	sadd.s32 s14, s9  }
0x13: {  	s13 =	sadd.s32 s18, s13;
	s14 =	sadd.s32 s18, s14;
	s18 =	simm.s32 $0x80  }
0x14: {  	s30 =	sshrl.u32 s11, $0x3;
	s10 =	sadd.s32 $0x10, s8;
	s11 =	sadd.s32 $0x98800, s15  }
0x15: {  	s15 =	sshrl.u32 s17, $0x3;
	s17 =	simm.s32 $0x100;
	s7 =	sadd.s32 s12, s30  }
0x16: {  	s12 =	smax.u32 s16, $0x1;
	s16 =	simm.s32 $0x5;
	s9 =	sadd.s32 $0x10, s7  }
.LBB2_1:
0x17: {  	[spmem:s15], [sflag:s6] =	dma.local [hbm:s5], $0x2800  }
0x18: {  	_ =	swait.ge [sflag:s16], $0x2800  }
0x19: {  	[sflag:s16] =	ssyncset.done $0x0  }
0x1a: {  	[sflag:s16] =	ssyncadd.s32 $0xFFFFD800  }
0x1b: {  	[bflag:$0x0] =	sbarrier.arrive $0xFFFF  }
0x1c: {  	[tilespmem:s3], [sflag:$0x5] =	stream.linear.gather [hbm4b:s7+s3], $0x80, $0x38;
	[tilespmem:$0x1C200] =	vst v63  }
0x1d: {  	_ =	swait.ge [sflag:s16], $0x80  }
0x1e: {  	[sflag:s16] =	ssyncset.done $0x0  }
0x1f: {  	[sflag:s16] =	ssyncadd.s32 $0xFFFFFF80  }
0x20: {  	[tilespmem:s17], [sflag:$0x5] =	stream.linear.gather [hbm4b:s8+s3], $0x80, $0x38;
	[tilespmem:$0x1C200] =	vst v63  }
0x21: {  	_ =	swait.ge [sflag:s16], $0x80  }
0x22: {  	[sflag:s16] =	ssyncset.done $0x0  }
0x23: {  	[sflag:s16] =	ssyncadd.s32 $0xFFFFFF80  }
0x24: {  	[tilespmem:s19], [sflag:$0x1] =	stream.indirect.gather [hbm4b:s4+s18], $0x80, s3, s18, $0xb8;
	[tilespmem:$0x1C200] =	vst v63  }
0x25: {  	_ = 	snop  }
0x26: {  	[tilespmem:s18], [sflag:$0x4] =	stream.linear.gather [hbm4b:s9+s3], $0x80, $0x38;
	[tilespmem:$0x1C200] =	vst v63  }
0x27: {  	_ = 	snop  }
0x28: {  	[tilespmem:s20], [sflag:$0x4] =	stream.linear.gather [hbm4b:s10+s3], $0x80, $0x38;
	[tilespmem:$0x1C200] =	vst v63  }
0x29: {  	_ =	swait.ge [sflag:s21], $0x80  }
0x2a: {  	[sflag:s21] =	ssyncset.done $0x0  }
0x2b: {  	[sflag:s21] =	ssyncadd.s32 $0xFFFFFF80  }
0x2c: {  	_ =	swait.ge [sflag:s21], $0x80  }
0x2d: {  	[sflag:s21] =	ssyncset.done $0x0  }
0x2e: {  	[sflag:s21] =	ssyncadd.s32 $0xFFFFFF80  }
0x2f: {  	[tilespmem:s22], [sflag:$0x2] =	stream.indirect.gather [hbm4b:s4+s18], $0x80, s18, s18, $0xb8;
	[tilespmem:$0x1C200] =	vst v63  }
0x30: {  	_ =	swait.ge [sflag:s23], $0x4000  }
0x31: {  	[sflag:s23] =	ssyncset.done $0x0  }
0x32: {  	[sflag:s23] =	ssyncadd.s32 $0xFFFFC000  }
0x33: {  	[spmem:s1] =	stream.indirect.scatter.add.f32 [tilespmem:s19], [sflag:$0x5], $0x80, s17, s18, $0xb8;
	[tilespmem:$0x1C200] =	vst v63  }
0x34: {  	_ =	swait.ge [sflag:s16], $0x4000  }
0x35: {  	s28 =	sadd.s32 $0x0, s13;
	[sflag:s16] =	ssyncset.done $0x0  }
0x36: {  	s30 =	sadd.s32 $0x0, s14;
	s29 =	sadd.s32 $0x20, s28;
	[sflag:s16] =	ssyncadd.s32 $0xFFFFC000  }
0x37: {  	[tilespmem:s3], [sflag:$0x3] =	stream.linear.gather [hbm4b:s29+s3], $0x80, $0x38;
	[tilespmem:$0x1C200] =	vst v63  }
0x38: {  	s29 =	sadd.s32 $0x20, s30  }
0x39: {  	[tilespmem:s17], [sflag:$0x3] =	stream.linear.gather [hbm4b:s29+s3], $0x80, $0x38;
	[tilespmem:$0x1C200] =	vst v63  }
0x3a: {  	_ =	swait.ge [sflag:s24], $0x80  }
0x3b: {  	[sflag:s24] =	ssyncset.done $0x0  }
0x3c: {  	[sflag:s24] =	ssyncadd.s32 $0xFFFFFF80  }
0x3d: {  	_ =	swait.ge [sflag:s24], $0x80  }
0x3e: {  	[sflag:s24] =	ssyncset.done $0x0  }
0x3f: {  	[sflag:s24] =	ssyncadd.s32 $0xFFFFFF80  }
0x40: {  	[tilespmem:s19], [sflag:$0x1] =	stream.indirect.gather [hbm4b:s4+s18], $0x80, s3, s18, $0xb8;
	[tilespmem:$0x1C200] =	vst v63  }
0x41: {  	_ =	swait.ge [sflag:s25], $0x4000  }
0x42: {  	[sflag:s25] =	ssyncset.done $0x0  }
0x43: {  	[sflag:s25] =	ssyncadd.s32 $0xFFFFC000  }
0x44: {  	[spmem:s1] =	stream.indirect.scatter.add.f32 [tilespmem:s22], [sflag:$0x5], $0x80, s20, s18, $0xb8;
	[tilespmem:$0x1C200] =	vst v63  }
0x45: {  	_ =	swait.ge [sflag:s16], $0x4000  }
0x46: {  	[sflag:s16] =	ssyncset.done $0x0  }
0x47: {  	s28 =	sadd.s32 $0x30, s28;
	[sflag:s16] =	ssyncadd.s32 $0xFFFFC000  }
0x48: {  	[tilespmem:s18], [sflag:$0x4] =	stream.linear.gather [hbm4b:s28+s3], $0x80, $0x38;
	[tilespmem:$0x1C200] =	vst v63  }
0x49: {  	s29 =	sadd.s32 $0x30, s30;
	s28 =	simm.s32 $0x20  }
.LBB2_2:
0x4a: {  	[tilespmem:s20], [sflag:$0x4] =	stream.linear.gather [hbm4b:s29+s3], $0x80, $0x38;
	[tilespmem:$0x1C200] =	vst v63  }
0x4b: {  	s29 =	smov.u32 s28  }
0x4c: {  	p0 =	sne.s32 s28, $0x9A0;
	s28 =	sadd.s32 $0x20, s28;
	_ =	swait.ge [sflag:s21], $0x80  }
0x4d: {  	[sflag:s21] =	ssyncset.done $0x0  }
0x4e: {  	[sflag:s21] =	ssyncadd.s32 $0xFFFFFF80  }
0x4f: {  	_ =	swait.ge [sflag:s21], $0x80  }
0x50: {  	[sflag:s21] =	ssyncset.done $0x0  }
0x51: {  	[sflag:s21] =	ssyncadd.s32 $0xFFFFFF80  }
0x52: {  	[tilespmem:s22], [sflag:$0x2] =	stream.indirect.gather [hbm4b:s4+s18], $0x80, s18, s18, $0xb8;
	[tilespmem:$0x1C200] =	vst v63  }
0x53: {  	_ =	swait.ge [sflag:s23], $0x4000  }
0x54: {  	[sflag:s23] =	ssyncset.done $0x0  }
0x55: {  	[sflag:s23] =	ssyncadd.s32 $0xFFFFC000  }
0x56: {  	[spmem:s1] =	stream.indirect.scatter.add.f32 [tilespmem:s19], [sflag:$0x5], $0x80, s17, s18, $0xb8;
	[tilespmem:$0x1C200] =	vst v63  }
0x57: {  	_ =	swait.ge [sflag:s16], $0x4000  }
0x58: {  	s30 =	sadd.s32 s29, s13;
	[sflag:s16] =	ssyncset.done $0x0  }
0x59: {  	s29 =	sadd.s32 s29, s14;
	s31 =	sadd.s32 $0x20, s30;
	[sflag:s16] =	ssyncadd.s32 $0xFFFFC000  }
0x5a: {  	[tilespmem:s3], [sflag:$0x3] =	stream.linear.gather [hbm4b:s31+s3], $0x80, $0x38;
	[tilespmem:$0x1C200] =	vst v63  }
0x5b: {  	s31 =	sadd.s32 $0x20, s29  }
0x5c: {  	[tilespmem:s17], [sflag:$0x3] =	stream.linear.gather [hbm4b:s31+s3], $0x80, $0x38;
	[tilespmem:$0x1C200] =	vst v63  }
0x5d: {  	_ =	swait.ge [sflag:s24], $0x80  }
0x5e: {  	[sflag:s24] =	ssyncset.done $0x0  }
0x5f: {  	[sflag:s24] =	ssyncadd.s32 $0xFFFFFF80  }
0x60: {  	_ =	swait.ge [sflag:s24], $0x80  }
0x61: {  	[sflag:s24] =	ssyncset.done $0x0  }
0x62: {  	[sflag:s24] =	ssyncadd.s32 $0xFFFFFF80  }
0x63: {  	[tilespmem:s19], [sflag:$0x1] =	stream.indirect.gather [hbm4b:s4+s18], $0x80, s3, s18, $0xb8;
	[tilespmem:$0x1C200] =	vst v63  }
0x64: {  	_ =	swait.ge [sflag:s25], $0x4000  }
0x65: {  	[sflag:s25] =	ssyncset.done $0x0  }
0x66: {  	[sflag:s25] =	ssyncadd.s32 $0xFFFFC000  }
0x67: {  	[spmem:s1] =	stream.indirect.scatter.add.f32 [tilespmem:s22], [sflag:$0x5], $0x80, s20, s18, $0xb8;
	[tilespmem:$0x1C200] =	vst v63  }
.Ltmp0:
0x68: {  	_ =	swait.ge [sflag:s16], $0x4000;
	(pc) =	sbr.rel @p0 .LBB2_2-.Ltmp0, $4  }
0x69: {  	[sflag:s16] =	ssyncset.done $0x0  }
0x6a: {  	s30 =	sadd.s32 $0x30, s30;
	[sflag:s16] =	ssyncadd.s32 $0xFFFFC000  }
0x6b: {  	[tilespmem:s18], [sflag:$0x4] =	stream.linear.gather [hbm4b:s30+s3], $0x80, $0x38;
	[tilespmem:$0x1C200] =	vst v63  }
0x6c: {  	s29 =	sadd.s32 $0x30, s29  }
0x6d: {  	[tilespmem:s20], [sflag:$0x4] =	stream.linear.gather [hbm4b:s29+s3], $0x80, $0x38;
	[tilespmem:$0x1C200] =	vst v63  }
0x6e: {  	_ =	swait.ge [sflag:s21], $0x80  }
0x6f: {  	[sflag:s21] =	ssyncset.done $0x0  }
0x70: {  	[sflag:s21] =	ssyncadd.s32 $0xFFFFFF80  }
0x71: {  	_ =	swait.ge [sflag:s21], $0x80  }
0x72: {  	[sflag:s21] =	ssyncset.done $0x0  }
0x73: {  	[sflag:s21] =	ssyncadd.s32 $0xFFFFFF80  }
0x74: {  	[tilespmem:s22], [sflag:$0x2] =	stream.indirect.gather [hbm4b:s4+s18], $0x80, s18, s18, $0xb8;
	[tilespmem:$0x1C200] =	vst v63  }
0x75: {  	_ =	swait.ge [sflag:s23], $0x4000  }
0x76: {  	[sflag:s23] =	ssyncset.done $0x0  }
0x77: {  	[sflag:s23] =	ssyncadd.s32 $0xFFFFC000  }
0x78: {  	[spmem:s1] =	stream.indirect.scatter.add.f32 [tilespmem:s19], [sflag:$0x5], $0x80, s17, s18, $0xb8;
	[tilespmem:$0x1C200] =	vst v63  }
0x79: {  	_ =	swait.ge [sflag:s16], $0x4000  }
0x7a: {  	[sflag:s16] =	ssyncset.done $0x0  }
0x7b: {  	[sflag:s16] =	ssyncadd.s32 $0xFFFFC000  }
0x7c: {  	_ =	swait.ge [sflag:s25], $0x4000  }
0x7d: {  	[sflag:s25] =	ssyncset.done $0x0  }
0x7e: {  	[sflag:s25] =	ssyncadd.s32 $0xFFFFC000  }
0x7f: {  	[spmem:s1] =	stream.indirect.scatter.add.f32 [tilespmem:s22], [sflag:$0x5], $0x80, s20, s18, $0xb8;
	[tilespmem:$0x1C200] =	vst v63  }
0x80: {  	_ =	swait.ge [sflag:s16], $0x4000  }
0x81: {  	s26 =	sadd.s32 $0x1, s26;
	[sflag:s16] =	ssyncset.done $0x0  }
0x82: {  	p0 =	sne.s32 s26, s12;
	[sflag:s16] =	ssyncadd.s32 $0xFFFFC000  }
.Ltmp1:
0x83: {  	[bflag:$0x0] =	sbarrier.arrive $0xFFFF;
	(pc) =	sbr.rel @p0 .LBB2_1-.Ltmp1, $4  }
0x84: {  	[hbm:s11], [sflag:s6] =	dma.local [spmem:s15], $0x2800  }
0x85: {  	_ =	swait.ge [sflag:s16], $0x2800  }
0x86: {  	[sflag:s16] =	ssyncset.done $0x0  }
0x87: {  	[sflag:s16] =	ssyncadd.s32 $0xFFFFD800  }
0x88: {  	_ =	sfence.sel $0x180000  }
0x89: {  	[bflag:$0x0] =	sbarrier.arrive $0xFFFF  }
0x8a: {  	p0 =	sne.s32 s2, $0x0;
	_ =	strace $0x9000004D  }
0x8b: {  	s0 =	sadd.s32 @!p0 $0x100000, s0;
	[bflag:$0x2] =	sbarrier.arrive $0xFFFF  }
0x8c: {  	[sflag:s0] =	ssyncadd.tile.s32 @!p0 $0x1;
	_ =	shalt  }
.Lfunc_end2:
_tile_overlayer_lowered:
.L_overlay_start_2:
0x8d: {  	(tag) =	ssettag $0x2  }
0x8e: {  	s0 =	rddreg [dreg:$0x0];
	s2 =	stileid.u32  }
0x8f: {  	s1 =	rddreg [dreg:$0x1];
	p0 =	sne.s32 s2, $0x0  }
0x90: {  	s3 =	rddreg [dreg:$0x2];
	[bflag:$0x3] =	sbarrier.arrive $0xFFFF;
	s2 =	simm.s32 @!p0 $0x1C05  }
0x91: {  	[timem:s3], [sflag:s2] =	dma.local @!p0 [hbm:s0], s1  }
0x92: {  	s0 =	simm.s32 @!p0 $0x5  }
0x93: {  	_ =	swait.ge @!p0 [sflag:s0], s1  }
0x94: {  	s1 =	ssub.s32 @!p0 $0x0, s1;
	[sflag:s0] =	ssyncset.done @!p0 $0x0  }
0x95: {  	[sflag:s0] =	ssyncadd.s32 @!p0 s1  }
0x96: {  	[bflag:$0x3] =	sbarrier.arrive $0xFFFF  }
0x97: {  	_ =	shalt  }

// kernel: kernel.8.cloned.1.call-start
scs
__scs_entry_jumppad:
0x0: {  	(pc) =	sbr.rel $0x88, $3  }
0x1: {  	(tag) =	ssettag $0x0;
	lr =	simm.s32 $0x1  }
0x2: {  	[smem:$0x3F99] =	sst lr;
	_ =	strace $0xD0000000  }
0x3: {  	_ = 	snop  }
0x4: {  	_ = 	snop  }
0x5: {  	_ = 	snop  }
0x6: {  	_ = 	snop  }
0x7: {  	_ = 	snop  }
__scs_overlays_trampoline_lowered:
0x8: {  	[smem:$0x3FA8] =	sst s0  }
0x9: {  	[smem:$0x3FA9] =	sst s1  }
0xa: {  	[smem:$0x3FAA] =	sst s2  }
0xb: {  	[smem:$0x3FAB] =	sst s3  }
0xc: {  	[smem:$0x3FAC] =	sst s4  }
0xd: {  	[smem:$0x3FAD] =	sst s5  }
0xe: {  	[smem:$0x3FAE] =	sst s6  }
0xf: {  	[smem:$0x3FAF] =	sst s7  }
0x10: {  	[smem:$0x3FB0] =	sst s8  }
0x11: {  	[smem:$0x3FB1] =	sst s9;
	s0 =	simm.s32 @!p0 $0x0  }
0x12: {  	s1 =	sld [smem:$0x3F97];
	s0 =	simm.s32 @p0 $0x1  }
0x13: {  	[smem:$0x3FB2] =	sst s0;
	s0 =	simm.s32 @!p1 $0x0  }
0x14: {  	s2 =	sld [smem:$0x3F96];
	s0 =	simm.s32 @p1 $0x1  }
0x15: {  	[smem:$0x3FB3] =	sst s0;
	s0 =	simm.s32 @!p2 $0x0  }
0x16: {  	s3 =	sld [smem:$0x3FDB];
	s0 =	simm.s32 @p2 $0x1  }
0x17: {  	s4 =	simm.s32 $0x1BF5;
	[smem:$0x3FB5] =	sst s0  }
0x18: {  	s0 =	sld [smem:$0x3F98];
	_ =	swait.ge [sflag:s4], $0x0  }
0x19: {  	s7 =	sld [smem:$0x3F99]  }
0x1a: {  	s8 =	sadd.s32 $0xFFFFE003, lr  }
0x1b: {  	s9 =	sadd.s32 $0xFFFFFEF7, lr;
	s5 =	simm.s32 $0xFFFFFFFF;
	p2 =	slt.u32 s8, $0xFFFFF086  }
0x1c: {  	p1 =	slt.u32 s9, $0xF7A;
	s5 =	simm.s32 @!p2 $0x0  }
0x1d: {  	s5 =	simm.s32 @p1 $0x1;
	p0 =	seq.s32 s7, s2  }
0x1e: {  	s7 =	smul.u32 @!p0 $0xF7A, s2;
	p2 =	seq.s32 @!p0 s5, $0x0  }
0x1f: {  	s9 =	smul.u32 $0xF7A, s1;
	s8 =	simm.s32 @!p0 $0x1BF5;
	p2 =	por !p2, p0  }
0x20: {  	[sflag:s8] =	ssyncset.s32 @!p0 $0xFFFFF086;
	s6 =	sadd.s32 @!p0 s3, s7;
	s7 =	simm.s32 @!p0 $0x108  }
0x21: {  	s3 =	sadd.s32 s3, s9;
	s6 =	sadd.s32 @!p0 $0x88, s6;
	s7 =	simm.s32 @p2 $0x1082  }
0x22: {  	[simem:s7], [sflag:s8] =	dma.local @!p0 [hbm:s6], $0xF7A  }
0x23: {  	s9 =	sor.u32 $0xD0000000, s2;
	s6 =	simm.s32 $0x108;
	_ =	swait.ge @!p0 [sflag:s8], $0x0  }
0x24: {  	s3 =	sadd.s32 $0x88, s3;
	s6 =	simm.s32 @!p1 $0x1082;
	[sflag:s4] =	ssyncset.s32 $0xFFFFF086  }
0x25: {  	[simem:s6], [sflag:s4] =	dma.local [hbm:s3], $0xF7A  }
0x26: {  	[smem:$0x3F99] =	sst s1;
	(tag) =	ssettag s2;
	_ =	strace s9  }
0x27: {  	s1 =	sld [smem:$0x3FA9]  }
0x28: {  	s2 =	sld [smem:$0x3FAA]  }
0x29: {  	s4 =	sld [smem:$0x3FAC]  }
0x2a: {  	p0 =	seq.s32 s5, $0x0;
	s5 =	sld [smem:$0x3FAD]  }
0x2b: {  	s6 =	sld [smem:$0x3FAE]  }
0x2c: {  	s7 =	sld [smem:$0x3FAF]  }
0x2d: {  	s3 =	simm.s32 $0x108;
	s8 =	sld [smem:$0x3FB0]  }
0x2e: {  	s3 =	simm.s32 @!p0 $0x1082;
	s9 =	sld [smem:$0x3FB1]  }
0x2f: {  	lr =	sadd.s32 s0, s3;
	s0 =	sld [smem:$0x3FA8]  }
0x30: {  	s3 =	sld [smem:$0x3FAB]  }
0x31: {  	[smem:$0x3FB4] =	sst s10  }
0x32: {  	s10 =	sld [smem:$0x3FB2];
	_ =	sdelay $0x3  }
0x33: {  	p0 =	seq.s32 s10, $0x1;
	s10 =	sld [smem:$0x3FB4];
	_ =	sdelay $0x3  }
0x34: {  	[smem:$0x3FB4] =	sst s10  }
0x35: {  	s10 =	sld [smem:$0x3FB3];
	_ =	sdelay $0x3  }
0x36: {  	p1 =	seq.s32 s10, $0x1;
	s10 =	sld [smem:$0x3FB4];
	_ =	sdelay $0x3  }
0x37: {  	[smem:$0x3FB4] =	sst s10  }
0x38: {  	s10 =	sld [smem:$0x3FB5]  }
0x39: {  	_ = 	snop;
	(pc) =	sbr.ind lr, $3  }
0x3a: {  	_ = 	snop  }
0x3b: {  	_ = 	snop  }
0x3c: {  	p2 =	seq.s32 s10, $0x1;
	s10 =	sld [smem:$0x3FB4]  }
0x3d: {  	_ =	shalt  }
0x3e: {  	_ =	shalt  }
0x3f: {  	_ =	shalt  }
0x40: {  	_ =	shalt  }
0x41: {  	_ =	shalt  }
0x42: {  	_ =	shalt  }
0x43: {  	_ =	shalt  }
0x44: {  	_ =	shalt  }
0x45: {  	_ =	shalt  }
0x46: {  	_ =	shalt  }
0x47: {  	_ =	shalt  }
0x48: {  	_ =	shalt  }
0x49: {  	_ =	shalt  }
0x4a: {  	_ =	shalt  }
0x4b: {  	_ =	shalt  }
0x4c: {  	_ =	shalt  }
0x4d: {  	_ =	shalt  }
0x4e: {  	_ =	shalt  }
0x4f: {  	_ =	shalt  }
0x50: {  	_ =	shalt  }
0x51: {  	_ =	shalt  }
0x52: {  	_ =	shalt  }
0x53: {  	_ =	shalt  }
0x54: {  	_ =	shalt  }
0x55: {  	_ =	shalt  }
0x56: {  	_ =	shalt  }
0x57: {  	_ =	shalt  }
0x58: {  	_ =	shalt  }
0x59: {  	_ =	shalt  }
0x5a: {  	_ =	shalt  }
0x5b: {  	_ =	shalt  }
0x5c: {  	_ =	shalt  }
0x5d: {  	_ =	shalt  }
0x5e: {  	_ =	shalt  }
0x5f: {  	_ =	shalt  }
0x60: {  	_ =	shalt  }
0x61: {  	_ =	shalt  }
0x62: {  	_ =	shalt  }
0x63: {  	_ =	shalt  }
0x64: {  	_ =	shalt  }
0x65: {  	_ =	shalt  }
0x66: {  	_ =	shalt  }
0x67: {  	_ =	shalt  }
0x68: {  	_ =	shalt  }
0x69: {  	_ =	shalt  }
0x6a: {  	_ =	shalt  }
0x6b: {  	_ =	shalt  }
0x6c: {  	_ =	shalt  }
0x6d: {  	_ =	shalt  }
0x6e: {  	_ =	shalt  }
0x6f: {  	_ =	shalt  }
0x70: {  	_ =	shalt  }
0x71: {  	_ =	shalt  }
0x72: {  	_ =	shalt  }
0x73: {  	_ =	shalt  }
0x74: {  	_ =	shalt  }
0x75: {  	_ =	shalt  }
0x76: {  	_ =	shalt  }
0x77: {  	_ =	shalt  }
0x78: {  	_ =	shalt  }
0x79: {  	_ =	shalt  }
0x7a: {  	_ =	shalt  }
0x7b: {  	_ =	shalt  }
0x7c: {  	_ =	shalt  }
0x7d: {  	_ =	shalt  }
0x7e: {  	_ =	shalt  }
0x7f: {  	_ =	shalt  }
0x80: {  	_ =	shalt  }
0x81: {  	_ =	shalt  }
0x82: {  	_ =	shalt  }
0x83: {  	_ =	shalt  }
0x84: {  	_ =	shalt  }
0x85: {  	_ =	shalt  }
0x86: {  	_ =	shalt  }
0x87: {  	_ =	shalt  }
.Lfunc_end0:
.L_simem_size_0:
called_computation_lowered:
.L_overlay_start_0:
0x88: {  	s2 =	sld [smem:$0x3FD9]  }
0x89: {  	s3 =	sld [smem:$0x3FFE];
	_ =	sdelay $0x1  }
0x8a: {  	s1 =	srdreg.scid  }
0x8b: {  	s0 =	sand.u32 $0x1, s1  }
0x8c: {  	s17 =	sshll.u32 s0, $0xA;
	s2 =	sadd.s32 s3, s2  }
0x8d: {  	s2 =	sadd.s32 s2, s17  }
0x8e: {  	[smem:$0x3FC0] =	sst s2  }
0x8f: {  	_ = 	snop  }
0x90: {  	s2 =	sld [smem:$0x3FD0];
	(tm) =	ssettm $0x1  }
0x91: {  	s18 =	sld [smem:$0x3FFB];
	_ =	sdelay $0x3  }
0x92: {  	_ =	strace s18  }
0x93: {  	s3 =	sld [smem:$0x3FFC];
	_ =	sdelay $0x3  }
0x94: {  	_ =	strace s3  }
0x95: {  	s3 =	sld [smem:$0x3FFD];
	_ =	sdelay $0x3  }
0x96: {  	_ =	strace s3  }
0x97: {  	_ =	strace $0x8FFFFFFF  }
0x98: {  	s19 =	sld [smem:$0x3FDB];
	_ =	sdelay $0x1  }
0x99: {  	s4 =	simm.s32 $_scs_section_size  }
0x9a: {  	s5 =	simm.s32 $_size__tile_overlayer_lowered;
	s6 =	simm.s32 $_tile_overlayer_lowered  }
0x9b: {  	s22 =	simm.s32 $0x1BFF;
	s21 =	sshll.u32 s6, $0x1;
	s3 =	sadd.s32 s4, s19  }
0x9c: {  	s7 =	simm.s32 $0x0;
	s20 =	sshll.u32 s5, $0x1;
	s5 =	sadd.s32 s21, s3  }
0x9d: {  	[timem:s7], [sflag:s22] =	dma.local [hbm:s5], s20  }
0x9e: {  	_ =	swait.ge [sflag:s22], s20  }
0x9f: {  	s4 =	ssub.s32 $0x0, s20;
	[sflag:s22] =	ssyncset.done $0x0  }
0xa0: {  	[sflag:s22] =	ssyncadd.s32 s4;
	_ =	sdelay $0x1  }
0xa1: {  	s23 =	simm.s32 $0x1B8B  }
0xa2: {  	_ =	swait.ge [sflag:s23], $0x1  }
0xa3: {  	[sflag:s23] =	ssyncset.done $0x0  }
0xa4: {  	s25 =	simm.s32 $0x1B8E;
	s24 =	sld [smem:$0x3FFE];
	[sflag:s23] =	ssyncadd.s32 $0xFFFFFFFF  }
0xa5: {  	s26 =	simm.s32 $execute0_lowered;
	[smem:$0x3FD2] =	sst s25  }
0xa6: {  	s5 =	sshll.u32 s26, $0x1;
	_ =	strace $0x80000046;
	[dreg:$0x1] =	wrdreg $0xFFFFFFFF  }
0xa7: {  	s28 =	simm.s32 $_size_execute0_lowered;
	s3 =	sadd.s32 s3, s5;
	[dreg:$0x0] =	wrdreg $0x0  }
0xa8: {  	s5 =	sshll.u32 s28, $0x1;
	[dreg:$0x2] =	wrdreg s3  }
0xa9: {  	[dreg:$0x3] =	wrdreg s5  }
0xaa: {  	[dreg:$0x4] =	wrdreg $0xC0  }
0xab: {  	_ =	task [dreg:s7], $0x5FFFF  }
0xac: {  	[dreg:$0x1] =	wrdreg $0xFFFFFFFF  }
0xad: {  	[dreg:$0x0] =	wrdreg $0x60  }
0xae: {  	[dreg:$0x2] =	wrdreg s2  }
0xaf: {  	[dreg:$0x3] =	wrdreg s24  }
0xb0: {  	[dreg:$0x4] =	wrdreg $0x7C000  }
0xb1: {  	[dreg:$0x5] =	wrdreg $0x9  }
0xb2: {  	_ =	task.clear_ibuf [dreg:s7], $0x6FFFF;
	_ =	strace $0x90000046  }
0xb3: {  	s29 =	simm.s32 $0x9;
	_ =	strace $0x80000048  }
0xb4: {  	_ =	swait.ge [sflag:s29], $0x1  }
0xb5: {  	[sflag:s29] =	ssyncadd.s32 $0xFFFFFFFF  }
0xb6: {  	_ =	strace $0x90000048  }
0xb7: {  	_ =	sfence  }
0xb8: {  	s30 =	sld [smem:$0x0];
	_ =	sdelay $0x2  }
0xb9: {  	s31 =	sshll.u32 s1, $0xD;
	s1 =	sshrl.u32 s1, $0x2  }
0xba: {  	s3 =	sand.u32 $0x4000, s31;
	s1 =	sadd.s32 s1, s30  }
0xbb: {  	s0 =	sor.u32 s3, s0;
	s1 =	sshll.u32 s1, $0x11  }
0xbc: {  	s0 =	sor.u32 s1, s0  }
0xbd: {  	s0 =	sadd.s32 $0x8F2B, s0  }
0xbe: {  	[sflag:s0] =	ssyncadd.remote.s32 $0x1  }
0xbf: {  	_ =	sfence.sel $0xFFFF  }
0xc0: {  	[dreg:$0x0] =	wrdreg $0xFFFFFFFF;
	(pc) =	sbr.abs _section_cstart, $3  }
0xc1: {  	[dreg:$0x1] =	wrdreg $0xFFFFFFFF  }
0xc2: {  	_ =	task.clear_ibuf [dreg:s7], $0x2FFFF;
	_ =	strace $0x9FFFFFFF  }
0xc3: {  	(tm) =	ssettm $0x7FFFFFFF  }
tec
execute0_lowered:
.L_overlay_start_1:
0x0: {  	(tag) =	ssettag $0x1  }
0x1: {  	s4 =	rddreg [dreg:$0x0]  }
0x2: {  	s5 =	rddreg [dreg:$0x1];
	s1 =	srdreg.scid  }
0x3: {  	s0 =	stileid.u32;
	s6 =	rddreg [dreg:$0x2]  }
0x4: {  	s2 =	simm.s32 $0x0;
	s12 =	simm.s32 $0x7700;
	s7 =	smul.u32 $0x280, s0  }
0x5: {  	s3 =	sand.u32 $0x1, s1;
	s1 =	rddreg [dreg:$0x3];
	s9 =	smul.u32 $0x9E0, s0  }
0x6: {  	s13 =	simm.s32 $0x0;
	[smem:$0x7FF] =	sst s2;
	s11 =	smul.u32 $0xA000, s0  }
0x7: {  	s8 =	smul.u32 $0x2800, s3;
	_ =	strace $0x80000047;
	s10 =	ssub.s32 $0x2, s3  }
0x8: {  	s3 =	sadd.s32 $0xDA00, s5;
	s30 =	sshrl.u32 s10, $0x1;
	s4 =	sadd.s32 s4, s9  }
0x9: {  	s31 =	sshrl.u32 s11, $0x2;
	s9 =	simm.s32 $0x1;
	s8 =	sadd.s32 s7, s8  }
0xa: {  	s11 =	simm.s32 $0x7980;
	s10 =	ssub.s32 s10, s30;
	s8 =	sshrl.u32 s8, $0x3  }
0xb: {  	s8 =	sadd.s32 s8, s5;
	s5 =	sadd.s32 s31, s6;
	s6 =	sadd.s32 s7, s6  }
0xc: {  	v0 =	vimm.f32 $1.000000000e+00;
	s7 =	sadd.s32 $0xE000, s8;
	s8 =	smax.u32 s10, $0x1;
	s10 =	simm.s32 $0x4F00  }
.LBB2_1:
0xd: {  	[tilespmem:s2], [sflag:$0x1] =	stream.linear.gather [hbm4b:s4+s2], $0x4F00, $0x38;
	[tilespmem:$0xA400] =	vst v63  }
0xe: {  	_ =	swait.ge [sflag:s9], $0x4F00  }
0xf: {  	[sflag:s9] =	ssyncset.done $0x0  }
0x10: {  	[sflag:s9] =	ssyncadd.s32 $0xFFFFB100  }
0x11: {  	[tilespmem:s10], [sflag:$0x1] =	stream.linear.gather [hbm4b:s3+s2], $0x2800, $0x38;
	[tilespmem:$0xA400] =	vst v63  }
0x12: {  	_ =	swait.ge [sflag:s9], $0x2800  }
0x13: {  	[sflag:s9] =	ssyncset.done $0x0  }
0x14: {  	s15 =	simm.s32 $0x0;
	s14 =	simm.s32 $0x40;
	[sflag:s9] =	ssyncadd.s32 $0xFFFFD800  }
.LBB2_2:
0x15: {  	p0 =	sne.s32 s14, $0x13BC0;
	v1 =	vld [tilespmem:s15+$0x0];
	_ =	sdelay $0x3  }
.Ltmp0:
0x16: {  	(pc) =	sbr.rel @p0 .LBB2_2-.Ltmp0, $2  }
0x17: {  	_ =	sdelay $0x2  }
0x18: {  	s15 =	sshra.s32 s14, $0x2;
	s14 =	sadd.s32 $0x40, s14;
	[tilespmem:v1+s10+$0x0] =	vst.idx.add.f32.msk $0xffff, v0  }
0x19: {  	v1 =	vld [tilespmem:s15+$0x0];
	_ =	sdelay $0x7  }
0x1a: {  	s14 =	simm.s32 $0x1;
	[tilespmem:v1+s10+$0x0] =	vst.idx.add.f32.msk $0xffff, v0  }
0x1b: {  	[spmem:s5] =	stream.linear.scatter [tilespmem:s10], [sflag:$0x1], $0x2800, $0x38;
	[tilespmem:$0xA400] =	vst v63  }
0x1c: {  	_ =	swait.ge [sflag:s14], $0x2800  }
0x1d: {  	[sflag:s14] =	ssyncset.done $0x0  }
0x1e: {  	[sflag:s14] =	ssyncadd.s32 $0xFFFFD800  }
0x1f: {  	[bflag:$0x0] =	sbarrier.arrive $0xFFFF  }
0x20: {  	[tilespmem:s11], [sflag:$0x1] =	stream.linear.gather [spmem:s6], $0x280, $0x38;
	[tilespmem:$0xA400] =	vst v63  }
0x21: {  	_ =	swait.ge [sflag:s14], $0x280  }
0x22: {  	[sflag:s14] =	ssyncset.done $0x0  }
0x23: {  	[sflag:s14] =	ssyncadd.s32 $0xFFFFFD80  }
.LBB2_4:
0x24: {  	s15 =	smul.u32 $0xA000, s14;
	_ =	sdelay $0x1  }
0x25: {  	s15 =	sshra.s32 s15, $0x2  }
0x26: {  	s15 =	sadd.s32 s15, s6  }
0x27: {  	[tilespmem:s12], [sflag:$0x1] =	stream.linear.gather [spmem:s15], $0x280, $0x38;
	[tilespmem:$0xA400] =	vst v63  }
0x28: {  	_ =	swait.ge [sflag:s9], $0x280  }
0x29: {  	[sflag:s9] =	ssyncset.done $0x0  }
0x2a: {  	s15 =	simm.s32 $0x0;
	[sflag:s9] =	ssyncadd.s32 $0xFFFFFD80  }
0x2b: {  	s16 =	simm.s32 $0x40;
	v1 =	vld [tilespmem:s15+$0x7700]  }
.LBB2_5:
0x2c: {  	p0 =	sne.s32 s16, $0x9C0;
	v2 =	vld [tilespmem:s15+$0x7980];
	_ =	sdelay $0x2  }
.Ltmp1:
0x2d: {  	(pc) =	sbr.rel @p0 .LBB2_5-.Ltmp1, $4  }
0x2e: {  	_ = 	snop  }
0x2f: {  	v2 =	vadd.f32 v1, v2  }
0x30: {  	s17 =	sshra.s32 s16, $0x2  }
0x31: {  	s16 =	sadd.s32 $0x40, s16;
	v1 =	vld [tilespmem:s17+$0x7700];
	[tilespmem:s15+$0x7980] =	vst v2;
	s15 =	smov.u32 s17  }
0x32: {  	v2 =	vld [tilespmem:s15+$0x7980]  }
0x33: {  	s14 =	sadd.s32 $0x1, s14  }
0x34: {  	p0 =	sne.s32 s14, $0x10  }
.Ltmp2:
0x35: {  	_ = 	snop;
	(pc) =	sbr.rel @p0 .LBB2_4-.Ltmp2, $3  }
0x36: {  	_ = 	snop  }
0x37: {  	v1 =	vadd.f32 v1, v2;
	_ =	sdelay $0x1  }
0x38: {  	[tilespmem:s15+$0x7980] =	vst v1  }
0x39: {  	s13 =	sadd.s32 $0x1, s13  }
0x3a: {  	p0 =	sne.s32 s13, s8  }
.Ltmp3:
0x3b: {  	_ = 	snop;
	(pc) =	sbr.rel @p0 .LBB2_1-.Ltmp3, $4  }
0x3c: {  	[hbm4b:s7+s2] =	stream.linear.scatter [tilespmem:s11], [sflag:$0x1], $0x280, $0x38;
	[tilespmem:$0xA400] =	vst v63  }
0x3d: {  	_ =	swait.ge [sflag:s9], $0x280  }
0x3e: {  	[sflag:s9] =	ssyncset.done $0x0  }
0x3f: {  	[sflag:s9] =	ssyncadd.s32 $0xFFFFFD80  }
0x40: {  	_ =	sfence.sel $0x180000  }
0x41: {  	[bflag:$0x0] =	sbarrier.arrive $0xFFFF  }
0x42: {  	p0 =	sne.s32 s0, $0x0;
	_ =	strace $0x90000047  }
0x43: {  	s0 =	sadd.s32 @!p0 $0x100000, s1;
	[bflag:$0x2] =	sbarrier.arrive $0xFFFF  }
0x44: {  	[sflag:s0] =	ssyncadd.tile.s32 @!p0 $0x1;
	_ =	shalt  }
.Lfunc_end2:
_tile_overlayer_lowered:
.L_overlay_start_2:
0x45: {  	(tag) =	ssettag $0x2  }
0x46: {  	s0 =	rddreg [dreg:$0x0];
	s2 =	stileid.u32  }
0x47: {  	s1 =	rddreg [dreg:$0x1];
	p0 =	sne.s32 s2, $0x0  }
0x48: {  	s3 =	rddreg [dreg:$0x2];
	[bflag:$0x3] =	sbarrier.arrive $0xFFFF;
	s2 =	simm.s32 @!p0 $0x1C01  }
0x49: {  	[timem:s3], [sflag:s2] =	dma.local @!p0 [hbm:s0], s1  }
0x4a: {  	s0 =	simm.s32 @!p0 $0x1  }
0x4b: {  	_ =	swait.ge @!p0 [sflag:s0], s1  }
0x4c: {  	s1 =	ssub.s32 @!p0 $0x0, s1;
	[sflag:s0] =	ssyncset.done @!p0 $0x0  }
0x4d: {  	[sflag:s0] =	ssyncadd.s32 @!p0 s1  }
0x4e: {  	[bflag:$0x3] =	sbarrier.arrive $0xFFFF  }
0x4f: {  	_ =	shalt  }

</sc_bundles>
